<compile_context>
chip_gen: v7x
topology: tpu7x:2x2x1
jax: 0.10.2.dev20260603
libtpu: 0.0.44.dev20260713+nightly
codegen_flags: <defaults>
</compile_context>

<pallas_src>
import functools

import jax
import jax.numpy as jnp
from jax import lax
from jax.experimental import pallas as pl
from jax.experimental.pallas import tpu as pltpu
from jax.experimental.pallas import tpu_sc as plsc

N = 10000
E = 320000
D = 128
NC = 2
NS = 16
NW = NC * NS
L = 16

C = 64
NB = 4
G0 = 120
G1 = 38
E_PAD = NS * (G0 + G1) * 128
NG = 80
N_PAD = NG * 128
TRASH = N

_mesh = plsc.VectorSubcoreMesh(
    core_axis_name="c", subcore_axis_name="s", num_cores=NC, num_subcores=NS)


@functools.partial(
    pl.kernel,
    out_type=jax.ShapeDtypeStruct((NW * 2 * N_PAD,), jnp.float32),
    mesh=_mesh,
    compiler_params=pltpu.CompilerParams(needs_layout_passes=False),
    scratch_types=[
        pltpu.VMEM((2, 10112), jnp.int32),
        pltpu.VMEM((N_PAD,), jnp.float32),
        pltpu.VMEM((N_PAD,), jnp.float32),
    ],
)
def _sc_degrees(adj_hbm, out_hbm, srh, hs, hr):
    sid = lax.axis_index("s")
    cid = lax.axis_index("c")
    w = sid * NC + cid

    zv = jnp.zeros((L,), jnp.float32)
    ones = jnp.ones((L,), jnp.float32)

    @pl.loop(0, N_PAD // L)
    def _(i):
        hs[pl.ds(i * L, L)] = zv
        hr[pl.ds(i * L, L)] = zv

    def _count(base, nv):
        pltpu.sync_copy(adj_hbm.at[pl.ds(0, 2), pl.ds(base, nv)],
                        srh.at[:, pl.ds(0, nv)])

        @pl.loop(0, nv // L)
        def _(i):
            plsc.addupdate_scatter(hs, [srh[0, pl.ds(i * L, L)]], ones)
            plsc.addupdate_scatter(hr, [srh[1, pl.ds(i * L, L)]], ones)

    @pl.when(w < 4)
    def _():
        _count(w * 10112, 10112)

    @pl.when(w >= 4)
    def _():
        _count(40448 + (w - 4) * 9984, 9984)

    off = w * 2 * N_PAD
    pltpu.sync_copy(hs, out_hbm.at[pl.ds(off, N_PAD)])
    pltpu.sync_copy(hr, out_hbm.at[pl.ds(off + N_PAD, N_PAD)])


@functools.partial(
    pl.kernel,
    out_type=jax.ShapeDtypeStruct((NC, N, D), jnp.float32),
    mesh=_mesh,
    compiler_params=pltpu.CompilerParams(needs_layout_passes=False),
    scratch_types=[
        pltpu.VMEM((2, 8192), jnp.int32),
    ] + [pltpu.VMEM((C, D), jnp.float32)] * NB + [
        pltpu.VMEM_SHARED((N_PAD, D), jnp.float32),
    ] + [pltpu.SemaphoreType.DMA] * NB,
)
def _sc_segsum(h_hbm, adj_hbm, out_hbm, srb, *rest):
    bufs = rest[:NB]
    acc = rest[NB]
    sems = rest[NB + 1:]
    sid = lax.axis_index("s")
    cid = lax.axis_index("c")

    zv = jnp.zeros((L,), jnp.float32)

    @pl.loop(0, C)
    def _(i):
        for k in range(D // 16):
            bufs[0][i, pl.ds(16 * k, 16)] = zv

    for t in range(N_PAD // NS // C):
        pltpu.sync_copy(bufs[0],
                        acc.at[pl.ds(sid * (N_PAD // NS) + t * C, C)])

    plsc.subcore_barrier()

    def _pipeline(ne):
        def sref(j):
            return srb.at[0, pl.ds(j * C, C)]

        def rref(j):
            return srb.at[1, pl.ds(j * C, C)]

        nh = ne // C
        for k in range(NB - 1):
            pltpu.async_copy(h_hbm.at[sref(k)], bufs[k], sems[k])

        @pl.loop(0, nh // NB)
        def _(t):
            j0 = NB * t
            for k in range(NB):
                jj = j0 + k
                pltpu.make_async_copy(h_hbm.at[srb.at[0, pl.ds(0, C)]],
                                      bufs[k], sems[k]).wait()

                @pl.when(jj + NB - 1 < nh)
                def _():
                    nxt = jj + NB - 1
                    pltpu.async_copy(h_hbm.at[srb.at[0, pl.ds(nxt * C, C)]],
                                     bufs[(k + NB - 1) % NB],
                                     sems[(k + NB - 1) % NB])

                pltpu.sync_copy(bufs[k], acc.at[srb.at[1, pl.ds(jj * C, C)]],
                                add=True)

        for k in range(nh % NB):
            jj = (nh // NB) * NB + k
            pltpu.make_async_copy(h_hbm.at[srb.at[0, pl.ds(0, C)]],
                                  bufs[k], sems[k]).wait()
            pltpu.sync_copy(bufs[k], acc.at[srb.at[1, pl.ds(jj * C, C)]],
                            add=True)

    def _stage(base, ne):
        pltpu.sync_copy(adj_hbm.at[pl.ds(0, 2), pl.ds(base, ne)],
                        srb.at[:, pl.ds(0, ne)])

    @pl.when(cid == 0)
    def _():
        base = sid * (G0 * 128)
        _stage(base, 8192)
        _pipeline(8192)
        _stage(base + 8192, G0 * 128 - 8192)
        _pipeline(G0 * 128 - 8192)

    @pl.when(cid == 1)
    def _():
        base = NS * (G0 * 128) + sid * (G1 * 128)

        @pl.when(sid < NS - 1)
        def _():
            _stage(base, G1 * 128)

        @pl.when(sid == NS - 1)
        def _():
            nreal = E - base
            _stage(base, 1280)
            zi = jnp.zeros((L,), jnp.int32)
            tr = jnp.full((L,), TRASH, jnp.int32)

            @pl.loop(0, (G1 * 128 - 1280) // L)
            def _(i):
                srb[0, pl.ds(1280 + i * L, L)] = zi
                srb[1, pl.ds(1280 + i * L, L)] = tr

        _pipeline(G1 * 128)

    plsc.subcore_barrier()

    rpw = 624
    pltpu.sync_copy(acc.at[pl.ds(sid * rpw, rpw)],
                    out_hbm.at[cid, pl.ds(sid * rpw, rpw)])

    @pl.when(sid == 0)
    def _():
        tail = NS * rpw
        pltpu.sync_copy(acc.at[pl.ds(tail, N - tail)],
                        out_hbm.at[cid, pl.ds(tail, N - tail)])


def _scl_body(d_ref, o_ref):
    deg = jnp.sum(d_ref[...], axis=0)
    o_ref[...] = lax.rsqrt(jnp.maximum(deg, 1.0))


def _tc_scales(degp):
    bn = 2048
    return pl.pallas_call(
        _scl_body,
        grid=(2 * N_PAD // bn,),
        in_specs=[pl.BlockSpec((NW, bn), lambda i: (0, i))],
        out_specs=pl.BlockSpec((bn,), lambda i: (i,)),
        out_shape=jax.ShapeDtypeStruct((2 * N_PAD,), jnp.float32),
    )(degp)


def _lin_body(x_ref, w_ref, b_ref, s_ref, o_ref):
    h = lax.dot_general(x_ref[...], w_ref[...], (((1,), (1,)), ((), ())),
                        preferred_element_type=jnp.float32)
    o_ref[...] = (h + b_ref[...]) * s_ref[...]


def _tc_linear(x, W, b2, scale_s):
    bn = 1000
    return pl.pallas_call(
        _lin_body,
        grid=(N // bn,),
        in_specs=[
            pl.BlockSpec((bn, D), lambda i: (i, 0)),
            pl.BlockSpec((D, D), lambda i: (0, 0)),
            pl.BlockSpec((1, D), lambda i: (0, 0)),
            pl.BlockSpec((bn, 1), lambda i: (i, 0)),
        ],
        out_specs=pl.BlockSpec((bn, D), lambda i: (i, 0)),
        out_shape=jax.ShapeDtypeStruct((N, D), jnp.float32),
    )(x, W, b2, scale_s)


def _fin_body(p_ref, s_ref, o_ref):
    o = (p_ref[0] + p_ref[1]) * s_ref[...]
    o_ref[...] = o * jax.nn.sigmoid(o)


def _tc_final(outp, scale_r):
    bn = 1000
    return pl.pallas_call(
        _fin_body,
        grid=(N // bn,),
        in_specs=[
            pl.BlockSpec((NC, bn, D), lambda i: (0, i, 0)),
            pl.BlockSpec((bn, 1), lambda i: (i, 0)),
        ],
        out_specs=pl.BlockSpec((bn, D), lambda i: (i, 0)),
        out_shape=jax.ShapeDtypeStruct((N, D), jnp.float32),
    )(outp, scale_r)


def kernel(x, adj, W, b):
    adj_i = adj.astype(jnp.int32)

    degp = _sc_degrees(adj_i).reshape(NW, 2 * N_PAD)
    scales = _tc_scales(degp)
    scale_s = scales[:N_PAD, None]
    scale_r = scales[N_PAD:, None]

    h = _tc_linear(x, W, b.reshape(1, D), scale_s)

    outp = _sc_segsum(h, adj_i)
    y = _tc_final(outp, scale_r)
    return (y, adj)

# --- scband reference (transcript-rebuilt; emitter-appended) ---
"""Pipeline reference for scband-gcnconv-21466246546035 (READ-ONLY COPY).

The authoritative reference and input builder live on the scoring server;
editing this copy changes nothing except your own understanding.
"""

import jax, jax.numpy as jnp
import numpy as np

N_NODES = 10000
N_EDGES = 320000
D_IN = 128
D_OUT = 128


def setup_inputs(seed: int = 0) -> dict:
    key = jax.random.key(seed)
    k1, k2, k3, k4 = jax.random.split(key, 4)
    x = jax.random.normal(k1, (N_NODES, D_IN), dtype=jnp.float32)
    adj = jax.random.randint(k2, (2, N_EDGES), 0, N_NODES, dtype=jnp.int64)
    # eqx.nn.Linear params: weight [out, in], bias [out]
    lim = 1.0 / np.sqrt(D_IN)
    W = jax.random.uniform(k3, (D_OUT, D_IN), minval=-lim, maxval=lim, dtype=jnp.float32)
    b = jax.random.uniform(k4, (D_OUT,), minval=-lim, maxval=lim, dtype=jnp.float32)
    return {"x": x, "adj": adj, "W": W, "b": b}


def reference(x, adj, W, b):
    n = x.shape[0]
    s, r = adj[0], adj[1]
    ones = jnp.ones_like(s)
    sender_degree = jax.ops.segment_sum(ones, s, n).astype(jnp.float32)
    receiver_degree = jax.ops.segment_sum(ones, r, n).astype(jnp.float32)
    # vmap(linear): h = x @ W.T + b
    h = x @ W.T + b
    # dropout p=0.0 is identity
    h = h * jax.lax.rsqrt(jnp.maximum(sender_degree, 1.0))[:, None]
    h = jax.ops.segment_sum(h[s], r, n)
    h = h * jax.lax.rsqrt(jnp.maximum(receiver_degree, 1.0))[:, None]
    h = jax.nn.silu(h)
    return (h, adj)

if __name__ == "__main__":
    import jax
    _d = setup_inputs()
    print(jax.jit(kernel)(*tuple(_d.values())))

</pallas_src>

<mosaic_0001>
#map = affine_map<(d0, d1) -> (0, 0)>
#map1 = affine_map<(d0, d1) -> (0)>
module attributes {stable_mosaic.version = 14 : i64} {
  func.func @_sc_degrees(%arg0: i32, %arg1: i32, %arg2: memref<2x320000xi32, #tpu.memory_space<hbm>>, %arg3: memref<655360xf32, #tpu.memory_space<hbm>>, %arg4: memref<2x10112xi32, #tpu.memory_space<vmem>>, %arg5: memref<10240xf32, #tpu.memory_space<vmem>>, %arg6: memref<10240xf32, #tpu.memory_space<vmem>>) attributes {dimension_semantics = [#tpu.dimension_semantics<core_parallel>, #tpu.dimension_semantics<subcore_parallel>], iteration_bounds = array<i64: 2, 16>, scalar_prefetch = 0 : i64, scratch_operands = 3 : i64, tpu.core_type = #tpu.core_type<sc_vector_subcore>, window_params = [{transform_indices = #map}, {transform_indices = #map1}]} {
    %mul3A = arith.constant 2 : i32
    %mul3A_0 = arith.muli %arg1, %mul3A : i32
    %add3A = arith.addi %mul3A_0, %arg0 : i32
    %broadcast_in_dim3A = arith.constant 0.000000e+00 : f32
    %broadcast_in_dim3A_1 = vector.broadcast %broadcast_in_dim3A : f32 to vector<16xf32>
    %broadcast_in_dim3A_2 = arith.constant 1.000000e+00 : f32
    %broadcast_in_dim3A_3 = vector.broadcast %broadcast_in_dim3A_2 : f32 to vector<16xf32>
    %scan3A = arith.constant 0 : i32
    %scan3A_4 = arith.constant 640 : i32
    %scan3A_5 = arith.addi %scan3A, %scan3A_4 : i32
    %scan3A_6 = arith.constant 1 : i32
    scf.for %scan3A_20 = %scan3A to %scan3A_5 step %scan3A_6  : i32 {
      %mul3A_21 = arith.constant 1 : i32
      %mul3A_22 = arith.muli %scan3A_20, %mul3A_21 : i32
      %add3A_23 = arith.constant 0 : i32
      %add3A_24 = arith.addi %add3A_23, %mul3A_22 : i32
      %mul3A_25 = arith.constant 16 : i32
      %mul3A_26 = arith.muli %add3A_24, %mul3A_25 : i32
      %swap3A = arith.index_cast %mul3A_26 : i32 to index
      %swap3A_27 = tpu.vector_load %arg5[%swap3A] {strides = array<i32>} : memref<10240xf32, #tpu.memory_space<vmem>>, vector<16xf32>,
      tpu.vector_store %arg5[%swap3A], %broadcast_in_dim3A_1 {strides = array<i32>} : memref<10240xf32, #tpu.memory_space<vmem>>, vector<16xf32>,
      %mul3A_28 = arith.constant 16 : i32
      %mul3A_29 = arith.muli %add3A_24, %mul3A_28 : i32
      %swap3A_30 = arith.index_cast %mul3A_29 : i32 to index
      %swap3A_31 = tpu.vector_load %arg6[%swap3A_30] {strides = array<i32>} : memref<10240xf32, #tpu.memory_space<vmem>>, vector<16xf32>,
      tpu.vector_store %arg6[%swap3A_30], %broadcast_in_dim3A_1 {strides = array<i32>} : memref<10240xf32, #tpu.memory_space<vmem>>, vector<16xf32>,
    }
    %scan3A_7 = arith.constant 640 : i32
    %lt3A = arith.constant 4 : i32
    %lt3A_8 = arith.cmpi slt, %add3A, %lt3A : i32
    %convert_element_type3A = arith.extui %lt3A_8 : i1 to i32
    %cond3A = arith.constant 0 : i32
    %cond3A_9 = arith.cmpi ne, %convert_element_type3A, %cond3A : i32
    scf.if %cond3A_9 {
      %mul3A_20 = arith.constant 10112 : i32
      %mul3A_21 = arith.muli %add3A, %mul3A_20 : i32
      "tpu.region"() ({
        %run_scoped3A = tpu.sem_alloc : memref<!tpu.dma_semaphore, #tpu.memory_space<semaphore_mem>>
        %dma_start3A = arith.constant 0 : i32
        %dma_start3A_27 = arith.constant 0 : i32
        %dma_start3A_28 = tpu.memref_slice %arg4[%dma_start3A, %dma_start3A_27] : memref<2x10112xi32, #tpu.memory_space<vmem>> -> memref<2x10112xi32, #tpu.memory_space<vmem>>
        %dma_start3A_29 = arith.constant 0 : i32
        %dma_start3A_30 = tpu.memref_slice %arg2[%dma_start3A_29, %mul3A_21] : memref<2x320000xi32, #tpu.memory_space<hbm>> -> memref<2x10112xi32, #tpu.memory_space<hbm>>
        %dma_start3A_31 = arith.constant 0 : i32
        %dma_start3A_32 = arith.constant 0 : i32
        %dma_start3A_33 = tpu.memref_slice %arg4[%dma_start3A_31, %dma_start3A_32] : memref<2x10112xi32, #tpu.memory_space<vmem>> -> memref<2x10112xi32, #tpu.memory_space<vmem>>
        %dma_start3A_34 = arith.constant 0 : i32
        %dma_start3A_35 = tpu.memref_slice %arg2[%dma_start3A_34, %mul3A_21] : memref<2x320000xi32, #tpu.memory_space<hbm>> -> memref<2x10112xi32, #tpu.memory_space<hbm>>
        tpu.enqueue_dma source(%dma_start3A_35 : memref<2x10112xi32, #tpu.memory_space<hbm>>) target(%dma_start3A_33 : memref<2x10112xi32, #tpu.memory_space<vmem>>) target_semaphore(%run_scoped3A : memref<!tpu.dma_semaphore, #tpu.memory_space<semaphore_mem>>)
        %dma_wait3A = arith.constant 0 : i32
        %dma_wait3A_36 = arith.constant 0 : i32
        %dma_wait3A_37 = tpu.memref_slice %arg4[%dma_wait3A, %dma_wait3A_36] : memref<2x10112xi32, #tpu.memory_space<vmem>> -> memref<2x10112xi32, #tpu.memory_space<vmem>>
        %dma_wait3A_38 = arith.constant 0 : i32
        %dma_wait3A_39 = tpu.memref_slice %arg2[%dma_wait3A_38, %mul3A_21] : memref<2x320000xi32, #tpu.memory_space<hbm>> -> memref<2x10112xi32, #tpu.memory_space<hbm>>
        %dma_wait3A_40 = arith.constant 0 : i32
        %dma_wait3A_41 = arith.constant 0 : i32
        %dma_wait3A_42 = tpu.memref_slice %arg4[%dma_wait3A_40, %dma_wait3A_41] : memref<2x10112xi32, #tpu.memory_space<vmem>> -> memref<2x10112xi32, #tpu.memory_space<vmem>>
        %dma_wait3A_43 = arith.constant 0 : i32
        %dma_wait3A_44 = tpu.memref_slice %arg2[%dma_wait3A_43, %mul3A_21] : memref<2x320000xi32, #tpu.memory_space<hbm>> -> memref<2x10112xi32, #tpu.memory_space<hbm>>
        tpu.wait_dma2 semaphore(%run_scoped3A : memref<!tpu.dma_semaphore, #tpu.memory_space<semaphore_mem>>) src(%dma_wait3A_44 : memref<2x10112xi32, #tpu.memory_space<hbm>>) dst(%dma_wait3A_42 : memref<2x10112xi32, #tpu.memory_space<vmem>>)
        tpu.yield
      }) : () -> ()
      %scan3A_22 = arith.constant 0 : i32
      %scan3A_23 = arith.constant 632 : i32
      %scan3A_24 = arith.addi %scan3A_22, %scan3A_23 : i32
      %scan3A_25 = arith.constant 1 : i32
      scf.for %scan3A_27 = %scan3A_22 to %scan3A_24 step %scan3A_25  : i32 {
        %mul3A_28 = arith.constant 1 : i32
        %mul3A_29 = arith.muli %scan3A_27, %mul3A_28 : i32
        %add3A_30 = arith.constant 0 : i32
        %add3A_31 = arith.addi %add3A_30, %mul3A_29 : i32
        %mul3A_32 = arith.constant 16 : i32
        %mul3A_33 = arith.muli %add3A_31, %mul3A_32 : i32
        %get3A = arith.constant 0 : i32
        %get3A_34 = arith.index_cast %get3A : i32 to index
        %get3A_35 = arith.index_cast %mul3A_33 : i32 to index
        %get3A_36 = tpu.vector_load %arg4[%get3A_34, %get3A_35] {strides = array<i32>} : memref<2x10112xi32, #tpu.memory_space<vmem>>, vector<16xi32>,
        tpu.vector_store_idx %arg5[%get3A_36], %broadcast_in_dim3A_3 {add = true} : memref<10240xf32, #tpu.memory_space<vmem>>[vector<16xi32>], vector<16xf32>,
        %mul3A_37 = arith.constant 16 : i32
        %mul3A_38 = arith.muli %add3A_31, %mul3A_37 : i32
        %get3A_39 = arith.constant 1 : i32
        %get3A_40 = arith.index_cast %get3A_39 : i32 to index
        %get3A_41 = arith.index_cast %mul3A_38 : i32 to index
        %get3A_42 = tpu.vector_load %arg4[%get3A_40, %get3A_41] {strides = array<i32>} : memref<2x10112xi32, #tpu.memory_space<vmem>>, vector<16xi32>,
        tpu.vector_store_idx %arg6[%get3A_42], %broadcast_in_dim3A_3 {add = true} : memref<10240xf32, #tpu.memory_space<vmem>>[vector<16xi32>], vector<16xf32>,
      }
      %scan3A_26 = arith.constant 632 : i32
    } else {
    }
    %ge3A = arith.constant 4 : i32
    %ge3A_10 = arith.cmpi sge, %add3A, %ge3A : i32
    %convert_element_type3A_11 = arith.extui %ge3A_10 : i1 to i32
    %cond3A_12 = arith.constant 0 : i32
    %cond3A_13 = arith.cmpi ne, %convert_element_type3A_11, %cond3A_12 : i32
    scf.if %cond3A_13 {
      %sub3A = arith.constant 4 : i32
      %sub3A_20 = arith.subi %add3A, %sub3A : i32
      %mul3A_21 = arith.constant 9984 : i32
      %mul3A_22 = arith.muli %sub3A_20, %mul3A_21 : i32
      %add3A_23 = arith.constant 40448 : i32
      %add3A_24 = arith.addi %add3A_23, %mul3A_22 : i32
      "tpu.region"() ({
        %run_scoped3A = tpu.sem_alloc : memref<!tpu.dma_semaphore, #tpu.memory_space<semaphore_mem>>
        %dma_start3A = arith.constant 0 : i32
        %dma_start3A_30 = arith.constant 0 : i32
        %dma_start3A_31 = tpu.memref_slice %arg4[%dma_start3A, %dma_start3A_30] : memref<2x10112xi32, #tpu.memory_space<vmem>> -> memref<2x9984xi32, #tpu.memory_space<vmem>>
        %dma_start3A_32 = arith.constant 0 : i32
        %dma_start3A_33 = tpu.memref_slice %arg2[%dma_start3A_32, %add3A_24] : memref<2x320000xi32, #tpu.memory_space<hbm>> -> memref<2x9984xi32, #tpu.memory_space<hbm>>
        %dma_start3A_34 = arith.constant 0 : i32
        %dma_start3A_35 = arith.constant 0 : i32
        %dma_start3A_36 = tpu.memref_slice %arg4[%dma_start3A_34, %dma_start3A_35] : memref<2x10112xi32, #tpu.memory_space<vmem>> -> memref<2x9984xi32, #tpu.memory_space<vmem>>
        %dma_start3A_37 = arith.constant 0 : i32
        %dma_start3A_38 = tpu.memref_slice %arg2[%dma_start3A_37, %add3A_24] : memref<2x320000xi32, #tpu.memory_space<hbm>> -> memref<2x9984xi32, #tpu.memory_space<hbm>>
        tpu.enqueue_dma source(%dma_start3A_38 : memref<2x9984xi32, #tpu.memory_space<hbm>>) target(%dma_start3A_36 : memref<2x9984xi32, #tpu.memory_space<vmem>>) target_semaphore(%run_scoped3A : memref<!tpu.dma_semaphore, #tpu.memory_space<semaphore_mem>>)
        %dma_wait3A = arith.constant 0 : i32
        %dma_wait3A_39 = arith.constant 0 : i32
        %dma_wait3A_40 = tpu.memref_slice %arg4[%dma_wait3A, %dma_wait3A_39] : memref<2x10112xi32, #tpu.memory_space<vmem>> -> memref<2x9984xi32, #tpu.memory_space<vmem>>
        %dma_wait3A_41 = arith.constant 0 : i32
        %dma_wait3A_42 = tpu.memref_slice %arg2[%dma_wait3A_41, %add3A_24] : memref<2x320000xi32, #tpu.memory_space<hbm>> -> memref<2x9984xi32, #tpu.memory_space<hbm>>
        %dma_wait3A_43 = arith.constant 0 : i32
        %dma_wait3A_44 = arith.constant 0 : i32
        %dma_wait3A_45 = tpu.memref_slice %arg4[%dma_wait3A_43, %dma_wait3A_44] : memref<2x10112xi32, #tpu.memory_space<vmem>> -> memref<2x9984xi32, #tpu.memory_space<vmem>>
        %dma_wait3A_46 = arith.constant 0 : i32
        %dma_wait3A_47 = tpu.memref_slice %arg2[%dma_wait3A_46, %add3A_24] : memref<2x320000xi32, #tpu.memory_space<hbm>> -> memref<2x9984xi32, #tpu.memory_space<hbm>>
        tpu.wait_dma2 semaphore(%run_scoped3A : memref<!tpu.dma_semaphore, #tpu.memory_space<semaphore_mem>>) src(%dma_wait3A_47 : memref<2x9984xi32, #tpu.memory_space<hbm>>) dst(%dma_wait3A_45 : memref<2x9984xi32, #tpu.memory_space<vmem>>)
        tpu.yield
      }) : () -> ()
      %scan3A_25 = arith.constant 0 : i32
      %scan3A_26 = arith.constant 624 : i32
      %scan3A_27 = arith.addi %scan3A_25, %scan3A_26 : i32
      %scan3A_28 = arith.constant 1 : i32
      scf.for %scan3A_30 = %scan3A_25 to %scan3A_27 step %scan3A_28  : i32 {
        %mul3A_31 = arith.constant 1 : i32
        %mul3A_32 = arith.muli %scan3A_30, %mul3A_31 : i32
        %add3A_33 = arith.constant 0 : i32
        %add3A_34 = arith.addi %add3A_33, %mul3A_32 : i32
        %mul3A_35 = arith.constant 16 : i32
        %mul3A_36 = arith.muli %add3A_34, %mul3A_35 : i32
        %get3A = arith.constant 0 : i32
        %get3A_37 = arith.index_cast %get3A : i32 to index
        %get3A_38 = arith.index_cast %mul3A_36 : i32 to index
        %get3A_39 = tpu.vector_load %arg4[%get3A_37, %get3A_38] {strides = array<i32>} : memref<2x10112xi32, #tpu.memory_space<vmem>>, vector<16xi32>,
        tpu.vector_store_idx %arg5[%get3A_39], %broadcast_in_dim3A_3 {add = true} : memref<10240xf32, #tpu.memory_space<vmem>>[vector<16xi32>], vector<16xf32>,
        %mul3A_40 = arith.constant 16 : i32
        %mul3A_41 = arith.muli %add3A_34, %mul3A_40 : i32
        %get3A_42 = arith.constant 1 : i32
        %get3A_43 = arith.index_cast %get3A_42 : i32 to index
        %get3A_44 = arith.index_cast %mul3A_41 : i32 to index
        %get3A_45 = tpu.vector_load %arg4[%get3A_43, %get3A_44] {strides = array<i32>} : memref<2x10112xi32, #tpu.memory_space<vmem>>, vector<16xi32>,
        tpu.vector_store_idx %arg6[%get3A_45], %broadcast_in_dim3A_3 {add = true} : memref<10240xf32, #tpu.memory_space<vmem>>[vector<16xi32>], vector<16xf32>,
      }
      %scan3A_29 = arith.constant 624 : i32
    } else {
    }
    %mul3A_14 = arith.constant 2 : i32
    %mul3A_15 = arith.muli %add3A, %mul3A_14 : i32
    %mul3A_16 = arith.constant 10240 : i32
    %mul3A_17 = arith.muli %mul3A_15, %mul3A_16 : i32
    "tpu.region"() ({
      %run_scoped3A = tpu.sem_alloc : memref<!tpu.dma_semaphore, #tpu.memory_space<semaphore_mem>>
      %dma_start3A = tpu.memref_slice %arg3[%mul3A_17] : memref<655360xf32, #tpu.memory_space<hbm>> -> memref<10240xf32, #tpu.memory_space<hbm>>
      %dma_start3A_20 = tpu.memref_slice %arg3[%mul3A_17] : memref<655360xf32, #tpu.memory_space<hbm>> -> memref<10240xf32, #tpu.memory_space<hbm>>
      tpu.enqueue_dma source(%arg5 : memref<10240xf32, #tpu.memory_space<vmem>>) target(%dma_start3A_20 : memref<10240xf32, #tpu.memory_space<hbm>>) target_semaphore(%run_scoped3A : memref<!tpu.dma_semaphore, #tpu.memory_space<semaphore_mem>>)
      %dma_wait3A = tpu.memref_slice %arg3[%mul3A_17] : memref<655360xf32, #tpu.memory_space<hbm>> -> memref<10240xf32, #tpu.memory_space<hbm>>
      %dma_wait3A_21 = tpu.memref_slice %arg3[%mul3A_17] : memref<655360xf32, #tpu.memory_space<hbm>> -> memref<10240xf32, #tpu.memory_space<hbm>>
      tpu.wait_dma2 semaphore(%run_scoped3A : memref<!tpu.dma_semaphore, #tpu.memory_space<semaphore_mem>>) src(%arg5 : memref<10240xf32, #tpu.memory_space<vmem>>) dst(%dma_wait3A_21 : memref<10240xf32, #tpu.memory_space<hbm>>)
      tpu.yield
    }) : () -> ()
    %add3A_18 = arith.constant 10240 : i32
    %add3A_19 = arith.addi %mul3A_17, %add3A_18 : i32
    "tpu.region"() ({
      %run_scoped3A = tpu.sem_alloc : memref<!tpu.dma_semaphore, #tpu.memory_space<semaphore_mem>>
      %dma_start3A = tpu.memref_slice %arg3[%add3A_19] : memref<655360xf32, #tpu.memory_space<hbm>> -> memref<10240xf32, #tpu.memory_space<hbm>>
      %dma_start3A_20 = tpu.memref_slice %arg3[%add3A_19] : memref<655360xf32, #tpu.memory_space<hbm>> -> memref<10240xf32, #tpu.memory_space<hbm>>
      tpu.enqueue_dma source(%arg6 : memref<10240xf32, #tpu.memory_space<vmem>>) target(%dma_start3A_20 : memref<10240xf32, #tpu.memory_space<hbm>>) target_semaphore(%run_scoped3A : memref<!tpu.dma_semaphore, #tpu.memory_space<semaphore_mem>>)
      %dma_wait3A = tpu.memref_slice %arg3[%add3A_19] : memref<655360xf32, #tpu.memory_space<hbm>> -> memref<10240xf32, #tpu.memory_space<hbm>>
      %dma_wait3A_21 = tpu.memref_slice %arg3[%add3A_19] : memref<655360xf32, #tpu.memory_space<hbm>> -> memref<10240xf32, #tpu.memory_space<hbm>>
      tpu.wait_dma2 semaphore(%run_scoped3A : memref<!tpu.dma_semaphore, #tpu.memory_space<semaphore_mem>>) src(%arg6 : memref<10240xf32, #tpu.memory_space<vmem>>) dst(%dma_wait3A_21 : memref<10240xf32, #tpu.memory_space<hbm>>)
      tpu.yield
    }) : () -> ()
    return
  }
}

#map = affine_map<(d0, d1) -> (0, 0)>
#map1 = affine_map<(d0, d1) -> (0, 0, 0)>
module attributes {stable_mosaic.version = 14 : i64} {
  func.func @_sc_segsum(%arg0: i32, %arg1: i32, %arg2: memref<10000x128xf32, #tpu.memory_space<hbm>>, %arg3: memref<2x320000xi32, #tpu.memory_space<hbm>>, %arg4: memref<2x10000x128xf32, #tpu.memory_space<hbm>>, %arg5: memref<2x8192xi32, #tpu.memory_space<vmem>>, %arg6: memref<64x128xf32, #tpu.memory_space<vmem>>, %arg7: memref<64x128xf32, #tpu.memory_space<vmem>>, %arg8: memref<64x128xf32, #tpu.memory_space<vmem>>, %arg9: memref<64x128xf32, #tpu.memory_space<vmem>>, %arg10: memref<10240x128xf32, #tpu.memory_space<vmem_shared>>, %arg11: memref<!tpu.dma_semaphore, #tpu.memory_space<semaphore_mem>>, %arg12: memref<!tpu.dma_semaphore, #tpu.memory_space<semaphore_mem>>, %arg13: memref<!tpu.dma_semaphore, #tpu.memory_space<semaphore_mem>>, %arg14: memref<!tpu.dma_semaphore, #tpu.memory_space<semaphore_mem>>) attributes {dimension_semantics = [#tpu.dimension_semantics<core_parallel>, #tpu.dimension_semantics<subcore_parallel>], iteration_bounds = array<i64: 2, 16>, scalar_prefetch = 0 : i64, scratch_operands = 10 : i64, tpu.core_type = #tpu.core_type<sc_vector_subcore>, window_params = [{transform_indices = #map}, {transform_indices = #map}, {transform_indices = #map1}]} {
    %broadcast_in_dim3A = arith.constant 0.000000e+00 : f32
    %broadcast_in_dim3A_0 = vector.broadcast %broadcast_in_dim3A : f32 to vector<16xf32>
    %scan3A = arith.constant 0 : i32
    %scan3A_1 = arith.constant 64 : i32
    %scan3A_2 = arith.addi %scan3A, %scan3A_1 : i32
    %scan3A_3 = arith.constant 1 : i32
    scf.for %scan3A_60 = %scan3A to %scan3A_2 step %scan3A_3  : i32 {
      %mul3A_61 = arith.constant 1 : i32
      %mul3A_62 = arith.muli %scan3A_60, %mul3A_61 : i32
      %add3A_63 = arith.constant 0 : i32
      %add3A_64 = arith.addi %add3A_63, %mul3A_62 : i32
      %swap3A = arith.index_cast %add3A_64 : i32 to index
      %swap3A_65 = arith.constant 0 : index
      %swap3A_66 = tpu.vector_load %arg6[%swap3A, %swap3A_65] {strides = array<i32>} : memref<64x128xf32, #tpu.memory_space<vmem>>, vector<16xf32>,
      tpu.vector_store %arg6[%swap3A, %swap3A_65], %broadcast_in_dim3A_0 {strides = array<i32>} : memref<64x128xf32, #tpu.memory_space<vmem>>, vector<16xf32>,
      %swap3A_67 = arith.index_cast %add3A_64 : i32 to index
      %swap3A_68 = arith.constant 16 : index
      %swap3A_69 = tpu.vector_load %arg6[%swap3A_67, %swap3A_68] {strides = array<i32>} : memref<64x128xf32, #tpu.memory_space<vmem>>, vector<16xf32>,
      tpu.vector_store %arg6[%swap3A_67, %swap3A_68], %broadcast_in_dim3A_0 {strides = array<i32>} : memref<64x128xf32, #tpu.memory_space<vmem>>, vector<16xf32>,
      %swap3A_70 = arith.index_cast %add3A_64 : i32 to index
      %swap3A_71 = arith.constant 32 : index
      %swap3A_72 = tpu.vector_load %arg6[%swap3A_70, %swap3A_71] {strides = array<i32>} : memref<64x128xf32, #tpu.memory_space<vmem>>, vector<16xf32>,
      tpu.vector_store %arg6[%swap3A_70, %swap3A_71], %broadcast_in_dim3A_0 {strides = array<i32>} : memref<64x128xf32, #tpu.memory_space<vmem>>, vector<16xf32>,
      %swap3A_73 = arith.index_cast %add3A_64 : i32 to index
      %swap3A_74 = arith.constant 48 : index
      %swap3A_75 = tpu.vector_load %arg6[%swap3A_73, %swap3A_74] {strides = array<i32>} : memref<64x128xf32, #tpu.memory_space<vmem>>, vector<16xf32>,
      tpu.vector_store %arg6[%swap3A_73, %swap3A_74], %broadcast_in_dim3A_0 {strides = array<i32>} : memref<64x128xf32, #tpu.memory_space<vmem>>, vector<16xf32>,
      %swap3A_76 = arith.index_cast %add3A_64 : i32 to index
      %swap3A_77 = arith.constant 64 : index
      %swap3A_78 = tpu.vector_load %arg6[%swap3A_76, %swap3A_77] {strides = array<i32>} : memref<64x128xf32, #tpu.memory_space<vmem>>, vector<16xf32>,
      tpu.vector_store %arg6[%swap3A_76, %swap3A_77], %broadcast_in_dim3A_0 {strides = array<i32>} : memref<64x128xf32, #tpu.memory_space<vmem>>, vector<16xf32>,
      %swap3A_79 = arith.index_cast %add3A_64 : i32 to index
      %swap3A_80 = arith.constant 80 : index
      %swap3A_81 = tpu.vector_load %arg6[%swap3A_79, %swap3A_80] {strides = array<i32>} : memref<64x128xf32, #tpu.memory_space<vmem>>, vector<16xf32>,
      tpu.vector_store %arg6[%swap3A_79, %swap3A_80], %broadcast_in_dim3A_0 {strides = array<i32>} : memref<64x128xf32, #tpu.memory_space<vmem>>, vector<16xf32>,
      %swap3A_82 = arith.index_cast %add3A_64 : i32 to index
      %swap3A_83 = arith.constant 96 : index
      %swap3A_84 = tpu.vector_load %arg6[%swap3A_82, %swap3A_83] {strides = array<i32>} : memref<64x128xf32, #tpu.memory_space<vmem>>, vector<16xf32>,
      tpu.vector_store %arg6[%swap3A_82, %swap3A_83], %broadcast_in_dim3A_0 {strides = array<i32>} : memref<64x128xf32, #tpu.memory_space<vmem>>, vector<16xf32>,
      %swap3A_85 = arith.index_cast %add3A_64 : i32 to index
      %swap3A_86 = arith.constant 112 : index
      %swap3A_87 = tpu.vector_load %arg6[%swap3A_85, %swap3A_86] {strides = array<i32>} : memref<64x128xf32, #tpu.memory_space<vmem>>, vector<16xf32>,
      tpu.vector_store %arg6[%swap3A_85, %swap3A_86], %broadcast_in_dim3A_0 {strides = array<i32>} : memref<64x128xf32, #tpu.memory_space<vmem>>, vector<16xf32>,
    }
    %scan3A_4 = arith.constant 64 : i32
    %mul3A = arith.constant 640 : i32
    %mul3A_5 = arith.muli %arg1, %mul3A : i32
    %add3A = arith.constant 0 : i32
    %add3A_6 = arith.addi %mul3A_5, %add3A : i32
    "tpu.region"() ({
      %run_scoped3A = tpu.sem_alloc : memref<!tpu.dma_semaphore, #tpu.memory_space<semaphore_mem>>
      %dma_start3A = arith.constant 0 : i32
      %dma_start3A_60 = tpu.memref_slice %arg10[%add3A_6, %dma_start3A] : memref<10240x128xf32, #tpu.memory_space<vmem_shared>> -> memref<64x128xf32, #tpu.memory_space<vmem_shared>>
      %dma_start3A_61 = arith.constant 0 : i32
      %dma_start3A_62 = tpu.memref_slice %arg10[%add3A_6, %dma_start3A_61] : memref<10240x128xf32, #tpu.memory_space<vmem_shared>> -> memref<64x128xf32, #tpu.memory_space<vmem_shared>>
      tpu.enqueue_dma source(%arg6 : memref<64x128xf32, #tpu.memory_space<vmem>>) target(%dma_start3A_62 : memref<64x128xf32, #tpu.memory_space<vmem_shared>>) target_semaphore(%run_scoped3A : memref<!tpu.dma_semaphore, #tpu.memory_space<semaphore_mem>>)
      %dma_wait3A = arith.constant 0 : i32
      %dma_wait3A_63 = tpu.memref_slice %arg10[%add3A_6, %dma_wait3A] : memref<10240x128xf32, #tpu.memory_space<vmem_shared>> -> memref<64x128xf32, #tpu.memory_space<vmem_shared>>
      %dma_wait3A_64 = arith.constant 0 : i32
      %dma_wait3A_65 = tpu.memref_slice %arg10[%add3A_6, %dma_wait3A_64] : memref<10240x128xf32, #tpu.memory_space<vmem_shared>> -> memref<64x128xf32, #tpu.memory_space<vmem_shared>>
      tpu.wait_dma2 semaphore(%run_scoped3A : memref<!tpu.dma_semaphore, #tpu.memory_space<semaphore_mem>>) src(%arg6 : memref<64x128xf32, #tpu.memory_space<vmem>>) dst(%dma_wait3A_65 : memref<64x128xf32, #tpu.memory_space<vmem_shared>>)
      tpu.yield
    }) : () -> ()
    %mul3A_7 = arith.constant 640 : i32
    %mul3A_8 = arith.muli %arg1, %mul3A_7 : i32
    %add3A_9 = arith.constant 64 : i32
    %add3A_10 = arith.addi %mul3A_8, %add3A_9 : i32
    "tpu.region"() ({
      %run_scoped3A = tpu.sem_alloc : memref<!tpu.dma_semaphore, #tpu.memory_space<semaphore_mem>>
      %dma_start3A = arith.constant 0 : i32
      %dma_start3A_60 = tpu.memref_slice %arg10[%add3A_10, %dma_start3A] : memref<10240x128xf32, #tpu.memory_space<vmem_shared>> -> memref<64x128xf32, #tpu.memory_space<vmem_shared>>
      %dma_start3A_61 = arith.constant 0 : i32
      %dma_start3A_62 = tpu.memref_slice %arg10[%add3A_10, %dma_start3A_61] : memref<10240x128xf32, #tpu.memory_space<vmem_shared>> -> memref<64x128xf32, #tpu.memory_space<vmem_shared>>
      tpu.enqueue_dma source(%arg6 : memref<64x128xf32, #tpu.memory_space<vmem>>) target(%dma_start3A_62 : memref<64x128xf32, #tpu.memory_space<vmem_shared>>) target_semaphore(%run_scoped3A : memref<!tpu.dma_semaphore, #tpu.memory_space<semaphore_mem>>)
      %dma_wait3A = arith.constant 0 : i32
      %dma_wait3A_63 = tpu.memref_slice %arg10[%add3A_10, %dma_wait3A] : memref<10240x128xf32, #tpu.memory_space<vmem_shared>> -> memref<64x128xf32, #tpu.memory_space<vmem_shared>>
      %dma_wait3A_64 = arith.constant 0 : i32
      %dma_wait3A_65 = tpu.memref_slice %arg10[%add3A_10, %dma_wait3A_64] : memref<10240x128xf32, #tpu.memory_space<vmem_shared>> -> memref<64x128xf32, #tpu.memory_space<vmem_shared>>
      tpu.wait_dma2 semaphore(%run_scoped3A : memref<!tpu.dma_semaphore, #tpu.memory_space<semaphore_mem>>) src(%arg6 : memref<64x128xf32, #tpu.memory_space<vmem>>) dst(%dma_wait3A_65 : memref<64x128xf32, #tpu.memory_space<vmem_shared>>)
      tpu.yield
    }) : () -> ()
    %mul3A_11 = arith.constant 640 : i32
    %mul3A_12 = arith.muli %arg1, %mul3A_11 : i32
    %add3A_13 = arith.constant 128 : i32
    %add3A_14 = arith.addi %mul3A_12, %add3A_13 : i32
    "tpu.region"() ({
      %run_scoped3A = tpu.sem_alloc : memref<!tpu.dma_semaphore, #tpu.memory_space<semaphore_mem>>
      %dma_start3A = arith.constant 0 : i32
      %dma_start3A_60 = tpu.memref_slice %arg10[%add3A_14, %dma_start3A] : memref<10240x128xf32, #tpu.memory_space<vmem_shared>> -> memref<64x128xf32, #tpu.memory_space<vmem_shared>>
      %dma_start3A_61 = arith.constant 0 : i32
      %dma_start3A_62 = tpu.memref_slice %arg10[%add3A_14, %dma_start3A_61] : memref<10240x128xf32, #tpu.memory_space<vmem_shared>> -> memref<64x128xf32, #tpu.memory_space<vmem_shared>>
      tpu.enqueue_dma source(%arg6 : memref<64x128xf32, #tpu.memory_space<vmem>>) target(%dma_start3A_62 : memref<64x128xf32, #tpu.memory_space<vmem_shared>>) target_semaphore(%run_scoped3A : memref<!tpu.dma_semaphore, #tpu.memory_space<semaphore_mem>>)
      %dma_wait3A = arith.constant 0 : i32
      %dma_wait3A_63 = tpu.memref_slice %arg10[%add3A_14, %dma_wait3A] : memref<10240x128xf32, #tpu.memory_space<vmem_shared>> -> memref<64x128xf32, #tpu.memory_space<vmem_shared>>
      %dma_wait3A_64 = arith.constant 0 : i32
      %dma_wait3A_65 = tpu.memref_slice %arg10[%add3A_14, %dma_wait3A_64] : memref<10240x128xf32, #tpu.memory_space<vmem_shared>> -> memref<64x128xf32, #tpu.memory_space<vmem_shared>>
      tpu.wait_dma2 semaphore(%run_scoped3A : memref<!tpu.dma_semaphore, #tpu.memory_space<semaphore_mem>>) src(%arg6 : memref<64x128xf32, #tpu.memory_space<vmem>>) dst(%dma_wait3A_65 : memref<64x128xf32, #tpu.memory_space<vmem_shared>>)
      tpu.yield
    }) : () -> ()
    %mul3A_15 = arith.constant 640 : i32
    %mul3A_16 = arith.muli %arg1, %mul3A_15 : i32
    %add3A_17 = arith.constant 192 : i32
    %add3A_18 = arith.addi %mul3A_16, %add3A_17 : i32
    "tpu.region"() ({
      %run_scoped3A = tpu.sem_alloc : memref<!tpu.dma_semaphore, #tpu.memory_space<semaphore_mem>>
      %dma_start3A = arith.constant 0 : i32
      %dma_start3A_60 = tpu.memref_slice %arg10[%add3A_18, %dma_start3A] : memref<10240x128xf32, #tpu.memory_space<vmem_shared>> -> memref<64x128xf32, #tpu.memory_space<vmem_shared>>
      %dma_start3A_61 = arith.constant 0 : i32
      %dma_start3A_62 = tpu.memref_slice %arg10[%add3A_18, %dma_start3A_61] : memref<10240x128xf32, #tpu.memory_space<vmem_shared>> -> memref<64x128xf32, #tpu.memory_space<vmem_shared>>
      tpu.enqueue_dma source(%arg6 : memref<64x128xf32, #tpu.memory_space<vmem>>) target(%dma_start3A_62 : memref<64x128xf32, #tpu.memory_space<vmem_shared>>) target_semaphore(%run_scoped3A : memref<!tpu.dma_semaphore, #tpu.memory_space<semaphore_mem>>)
      %dma_wait3A = arith.constant 0 : i32
      %dma_wait3A_63 = tpu.memref_slice %arg10[%add3A_18, %dma_wait3A] : memref<10240x128xf32, #tpu.memory_space<vmem_shared>> -> memref<64x128xf32, #tpu.memory_space<vmem_shared>>
      %dma_wait3A_64 = arith.constant 0 : i32
      %dma_wait3A_65 = tpu.memref_slice %arg10[%add3A_18, %dma_wait3A_64] : memref<10240x128xf32, #tpu.memory_space<vmem_shared>> -> memref<64x128xf32, #tpu.memory_space<vmem_shared>>
      tpu.wait_dma2 semaphore(%run_scoped3A : memref<!tpu.dma_semaphore, #tpu.memory_space<semaphore_mem>>) src(%arg6 : memref<64x128xf32, #tpu.memory_space<vmem>>) dst(%dma_wait3A_65 : memref<64x128xf32, #tpu.memory_space<vmem_shared>>)
      tpu.yield
    }) : () -> ()
    %mul3A_19 = arith.constant 640 : i32
    %mul3A_20 = arith.muli %arg1, %mul3A_19 : i32
    %add3A_21 = arith.constant 256 : i32
    %add3A_22 = arith.addi %mul3A_20, %add3A_21 : i32
    "tpu.region"() ({
      %run_scoped3A = tpu.sem_alloc : memref<!tpu.dma_semaphore, #tpu.memory_space<semaphore_mem>>
      %dma_start3A = arith.constant 0 : i32
      %dma_start3A_60 = tpu.memref_slice %arg10[%add3A_22, %dma_start3A] : memref<10240x128xf32, #tpu.memory_space<vmem_shared>> -> memref<64x128xf32, #tpu.memory_space<vmem_shared>>
      %dma_start3A_61 = arith.constant 0 : i32
      %dma_start3A_62 = tpu.memref_slice %arg10[%add3A_22, %dma_start3A_61] : memref<10240x128xf32, #tpu.memory_space<vmem_shared>> -> memref<64x128xf32, #tpu.memory_space<vmem_shared>>
      tpu.enqueue_dma source(%arg6 : memref<64x128xf32, #tpu.memory_space<vmem>>) target(%dma_start3A_62 : memref<64x128xf32, #tpu.memory_space<vmem_shared>>) target_semaphore(%run_scoped3A : memref<!tpu.dma_semaphore, #tpu.memory_space<semaphore_mem>>)
      %dma_wait3A = arith.constant 0 : i32
      %dma_wait3A_63 = tpu.memref_slice %arg10[%add3A_22, %dma_wait3A] : memref<10240x128xf32, #tpu.memory_space<vmem_shared>> -> memref<64x128xf32, #tpu.memory_space<vmem_shared>>
      %dma_wait3A_64 = arith.constant 0 : i32
      %dma_wait3A_65 = tpu.memref_slice %arg10[%add3A_22, %dma_wait3A_64] : memref<10240x128xf32, #tpu.memory_space<vmem_shared>> -> memref<64x128xf32, #tpu.memory_space<vmem_shared>>
      tpu.wait_dma2 semaphore(%run_scoped3A : memref<!tpu.dma_semaphore, #tpu.memory_space<semaphore_mem>>) src(%arg6 : memref<64x128xf32, #tpu.memory_space<vmem>>) dst(%dma_wait3A_65 : memref<64x128xf32, #tpu.memory_space<vmem_shared>>)
      tpu.yield
    }) : () -> ()
    %mul3A_23 = arith.constant 640 : i32
    %mul3A_24 = arith.muli %arg1, %mul3A_23 : i32
    %add3A_25 = arith.constant 320 : i32
    %add3A_26 = arith.addi %mul3A_24, %add3A_25 : i32
    "tpu.region"() ({
      %run_scoped3A = tpu.sem_alloc : memref<!tpu.dma_semaphore, #tpu.memory_space<semaphore_mem>>
      %dma_start3A = arith.constant 0 : i32
      %dma_start3A_60 = tpu.memref_slice %arg10[%add3A_26, %dma_start3A] : memref<10240x128xf32, #tpu.memory_space<vmem_shared>> -> memref<64x128xf32, #tpu.memory_space<vmem_shared>>
      %dma_start3A_61 = arith.constant 0 : i32
      %dma_start3A_62 = tpu.memref_slice %arg10[%add3A_26, %dma_start3A_61] : memref<10240x128xf32, #tpu.memory_space<vmem_shared>> -> memref<64x128xf32, #tpu.memory_space<vmem_shared>>
      tpu.enqueue_dma source(%arg6 : memref<64x128xf32, #tpu.memory_space<vmem>>) target(%dma_start3A_62 : memref<64x128xf32, #tpu.memory_space<vmem_shared>>) target_semaphore(%run_scoped3A : memref<!tpu.dma_semaphore, #tpu.memory_space<semaphore_mem>>)
      %dma_wait3A = arith.constant 0 : i32
      %dma_wait3A_63 = tpu.memref_slice %arg10[%add3A_26, %dma_wait3A] : memref<10240x128xf32, #tpu.memory_space<vmem_shared>> -> memref<64x128xf32, #tpu.memory_space<vmem_shared>>
      %dma_wait3A_64 = arith.constant 0 : i32
      %dma_wait3A_65 = tpu.memref_slice %arg10[%add3A_26, %dma_wait3A_64] : memref<10240x128xf32, #tpu.memory_space<vmem_shared>> -> memref<64x128xf32, #tpu.memory_space<vmem_shared>>
      tpu.wait_dma2 semaphore(%run_scoped3A : memref<!tpu.dma_semaphore, #tpu.memory_space<semaphore_mem>>) src(%arg6 : memref<64x128xf32, #tpu.memory_space<vmem>>) dst(%dma_wait3A_65 : memref<64x128xf32, #tpu.memory_space<vmem_shared>>)
      tpu.yield
    }) : () -> ()
    %mul3A_27 = arith.constant 640 : i32
    %mul3A_28 = arith.muli %arg1, %mul3A_27 : i32
    %add3A_29 = arith.constant 384 : i32
    %add3A_30 = arith.addi %mul3A_28, %add3A_29 : i32
    "tpu.region"() ({
      %run_scoped3A = tpu.sem_alloc : memref<!tpu.dma_semaphore, #tpu.memory_space<semaphore_mem>>
      %dma_start3A = arith.constant 0 : i32
      %dma_start3A_60 = tpu.memref_slice %arg10[%add3A_30, %dma_start3A] : memref<10240x128xf32, #tpu.memory_space<vmem_shared>> -> memref<64x128xf32, #tpu.memory_space<vmem_shared>>
      %dma_start3A_61 = arith.constant 0 : i32
      %dma_start3A_62 = tpu.memref_slice %arg10[%add3A_30, %dma_start3A_61] : memref<10240x128xf32, #tpu.memory_space<vmem_shared>> -> memref<64x128xf32, #tpu.memory_space<vmem_shared>>
      tpu.enqueue_dma source(%arg6 : memref<64x128xf32, #tpu.memory_space<vmem>>) target(%dma_start3A_62 : memref<64x128xf32, #tpu.memory_space<vmem_shared>>) target_semaphore(%run_scoped3A : memref<!tpu.dma_semaphore, #tpu.memory_space<semaphore_mem>>)
      %dma_wait3A = arith.constant 0 : i32
      %dma_wait3A_63 = tpu.memref_slice %arg10[%add3A_30, %dma_wait3A] : memref<10240x128xf32, #tpu.memory_space<vmem_shared>> -> memref<64x128xf32, #tpu.memory_space<vmem_shared>>
      %dma_wait3A_64 = arith.constant 0 : i32
      %dma_wait3A_65 = tpu.memref_slice %arg10[%add3A_30, %dma_wait3A_64] : memref<10240x128xf32, #tpu.memory_space<vmem_shared>> -> memref<64x128xf32, #tpu.memory_space<vmem_shared>>
      tpu.wait_dma2 semaphore(%run_scoped3A : memref<!tpu.dma_semaphore, #tpu.memory_space<semaphore_mem>>) src(%arg6 : memref<64x128xf32, #tpu.memory_space<vmem>>) dst(%dma_wait3A_65 : memref<64x128xf32, #tpu.memory_space<vmem_shared>>)
      tpu.yield
    }) : () -> ()
    %mul3A_31 = arith.constant 640 : i32
    %mul3A_32 = arith.muli %arg1, %mul3A_31 : i32
    %add3A_33 = arith.constant 448 : i32
    %add3A_34 = arith.addi %mul3A_32, %add3A_33 : i32
    "tpu.region"() ({
      %run_scoped3A = tpu.sem_alloc : memref<!tpu.dma_semaphore, #tpu.memory_space<semaphore_mem>>
      %dma_start3A = arith.constant 0 : i32
      %dma_start3A_60 = tpu.memref_slice %arg10[%add3A_34, %dma_start3A] : memref<10240x128xf32, #tpu.memory_space<vmem_shared>> -> memref<64x128xf32, #tpu.memory_space<vmem_shared>>
      %dma_start3A_61 = arith.constant 0 : i32
      %dma_start3A_62 = tpu.memref_slice %arg10[%add3A_34, %dma_start3A_61] : memref<10240x128xf32, #tpu.memory_space<vmem_shared>> -> memref<64x128xf32, #tpu.memory_space<vmem_shared>>
      tpu.enqueue_dma source(%arg6 : memref<64x128xf32, #tpu.memory_space<vmem>>) target(%dma_start3A_62 : memref<64x128xf32, #tpu.memory_space<vmem_shared>>) target_semaphore(%run_scoped3A : memref<!tpu.dma_semaphore, #tpu.memory_space<semaphore_mem>>)
      %dma_wait3A = arith.constant 0 : i32
      %dma_wait3A_63 = tpu.memref_slice %arg10[%add3A_34, %dma_wait3A] : memref<10240x128xf32, #tpu.memory_space<vmem_shared>> -> memref<64x128xf32, #tpu.memory_space<vmem_shared>>
      %dma_wait3A_64 = arith.constant 0 : i32
      %dma_wait3A_65 = tpu.memref_slice %arg10[%add3A_34, %dma_wait3A_64] : memref<10240x128xf32, #tpu.memory_space<vmem_shared>> -> memref<64x128xf32, #tpu.memory_space<vmem_shared>>
      tpu.wait_dma2 semaphore(%run_scoped3A : memref<!tpu.dma_semaphore, #tpu.memory_space<semaphore_mem>>) src(%arg6 : memref<64x128xf32, #tpu.memory_space<vmem>>) dst(%dma_wait3A_65 : memref<64x128xf32, #tpu.memory_space<vmem_shared>>)
      tpu.yield
    }) : () -> ()
    %mul3A_35 = arith.constant 640 : i32
    %mul3A_36 = arith.muli %arg1, %mul3A_35 : i32
    %add3A_37 = arith.constant 512 : i32
    %add3A_38 = arith.addi %mul3A_36, %add3A_37 : i32
    "tpu.region"() ({
      %run_scoped3A = tpu.sem_alloc : memref<!tpu.dma_semaphore, #tpu.memory_space<semaphore_mem>>
      %dma_start3A = arith.constant 0 : i32
      %dma_start3A_60 = tpu.memref_slice %arg10[%add3A_38, %dma_start3A] : memref<10240x128xf32, #tpu.memory_space<vmem_shared>> -> memref<64x128xf32, #tpu.memory_space<vmem_shared>>
      %dma_start3A_61 = arith.constant 0 : i32
      %dma_start3A_62 = tpu.memref_slice %arg10[%add3A_38, %dma_start3A_61] : memref<10240x128xf32, #tpu.memory_space<vmem_shared>> -> memref<64x128xf32, #tpu.memory_space<vmem_shared>>
      tpu.enqueue_dma source(%arg6 : memref<64x128xf32, #tpu.memory_space<vmem>>) target(%dma_start3A_62 : memref<64x128xf32, #tpu.memory_space<vmem_shared>>) target_semaphore(%run_scoped3A : memref<!tpu.dma_semaphore, #tpu.memory_space<semaphore_mem>>)
      %dma_wait3A = arith.constant 0 : i32
      %dma_wait3A_63 = tpu.memref_slice %arg10[%add3A_38, %dma_wait3A] : memref<10240x128xf32, #tpu.memory_space<vmem_shared>> -> memref<64x128xf32, #tpu.memory_space<vmem_shared>>
      %dma_wait3A_64 = arith.constant 0 : i32
      %dma_wait3A_65 = tpu.memref_slice %arg10[%add3A_38, %dma_wait3A_64] : memref<10240x128xf32, #tpu.memory_space<vmem_shared>> -> memref<64x128xf32, #tpu.memory_space<vmem_shared>>
      tpu.wait_dma2 semaphore(%run_scoped3A : memref<!tpu.dma_semaphore, #tpu.memory_space<semaphore_mem>>) src(%arg6 : memref<64x128xf32, #tpu.memory_space<vmem>>) dst(%dma_wait3A_65 : memref<64x128xf32, #tpu.memory_space<vmem_shared>>)
      tpu.yield
    }) : () -> ()
    %mul3A_39 = arith.constant 640 : i32
    %mul3A_40 = arith.muli %arg1, %mul3A_39 : i32
    %add3A_41 = arith.constant 576 : i32
    %add3A_42 = arith.addi %mul3A_40, %add3A_41 : i32
    "tpu.region"() ({
      %run_scoped3A = tpu.sem_alloc : memref<!tpu.dma_semaphore, #tpu.memory_space<semaphore_mem>>
      %dma_start3A = arith.constant 0 : i32
      %dma_start3A_60 = tpu.memref_slice %arg10[%add3A_42, %dma_start3A] : memref<10240x128xf32, #tpu.memory_space<vmem_shared>> -> memref<64x128xf32, #tpu.memory_space<vmem_shared>>
      %dma_start3A_61 = arith.constant 0 : i32
      %dma_start3A_62 = tpu.memref_slice %arg10[%add3A_42, %dma_start3A_61] : memref<10240x128xf32, #tpu.memory_space<vmem_shared>> -> memref<64x128xf32, #tpu.memory_space<vmem_shared>>
      tpu.enqueue_dma source(%arg6 : memref<64x128xf32, #tpu.memory_space<vmem>>) target(%dma_start3A_62 : memref<64x128xf32, #tpu.memory_space<vmem_shared>>) target_semaphore(%run_scoped3A : memref<!tpu.dma_semaphore, #tpu.memory_space<semaphore_mem>>)
      %dma_wait3A = arith.constant 0 : i32
      %dma_wait3A_63 = tpu.memref_slice %arg10[%add3A_42, %dma_wait3A] : memref<10240x128xf32, #tpu.memory_space<vmem_shared>> -> memref<64x128xf32, #tpu.memory_space<vmem_shared>>
      %dma_wait3A_64 = arith.constant 0 : i32
      %dma_wait3A_65 = tpu.memref_slice %arg10[%add3A_42, %dma_wait3A_64] : memref<10240x128xf32, #tpu.memory_space<vmem_shared>> -> memref<64x128xf32, #tpu.memory_space<vmem_shared>>
      tpu.wait_dma2 semaphore(%run_scoped3A : memref<!tpu.dma_semaphore, #tpu.memory_space<semaphore_mem>>) src(%arg6 : memref<64x128xf32, #tpu.memory_space<vmem>>) dst(%dma_wait3A_65 : memref<64x128xf32, #tpu.memory_space<vmem_shared>>)
      tpu.yield
    }) : () -> ()
    %barrier3A = arith.constant 0 : index
    tpu.barrier barrier_id(%barrier3A)
    %eq3A = arith.constant 0 : i32
    %eq3A_43 = arith.cmpi eq, %arg0, %eq3A : i32
    %convert_element_type3A = arith.extui %eq3A_43 : i1 to i32
    %cond3A = arith.constant 0 : i32
    %cond3A_44 = arith.cmpi ne, %convert_element_type3A, %cond3A : i32
    scf.if %cond3A_44 {
      %mul3A_60 = arith.constant 15360 : i32
      %mul3A_61 = arith.muli %arg1, %mul3A_60 : i32
      "tpu.region"() ({
        %run_scoped3A = tpu.sem_alloc : memref<!tpu.dma_semaphore, #tpu.memory_space<semaphore_mem>>
        %dma_start3A_115 = arith.constant 0 : i32
        %dma_start3A_116 = arith.constant 0 : i32
        %dma_start3A_117 = tpu.memref_slice %arg5[%dma_start3A_115, %dma_start3A_116] : memref<2x8192xi32, #tpu.memory_space<vmem>> -> memref<2x8192xi32, #tpu.memory_space<vmem>>
        %dma_start3A_118 = arith.constant 0 : i32
        %dma_start3A_119 = tpu.memref_slice %arg3[%dma_start3A_118, %mul3A_61] : memref<2x320000xi32, #tpu.memory_space<hbm>> -> memref<2x8192xi32, #tpu.memory_space<hbm>>
        %dma_start3A_120 = arith.constant 0 : i32
        %dma_start3A_121 = arith.constant 0 : i32
        %dma_start3A_122 = tpu.memref_slice %arg5[%dma_start3A_120, %dma_start3A_121] : memref<2x8192xi32, #tpu.memory_space<vmem>> -> memref<2x8192xi32, #tpu.memory_space<vmem>>
        %dma_start3A_123 = arith.constant 0 : i32
        %dma_start3A_124 = tpu.memref_slice %arg3[%dma_start3A_123, %mul3A_61] : memref<2x320000xi32, #tpu.memory_space<hbm>> -> memref<2x8192xi32, #tpu.memory_space<hbm>>
        tpu.enqueue_dma source(%dma_start3A_124 : memref<2x8192xi32, #tpu.memory_space<hbm>>) target(%dma_start3A_122 : memref<2x8192xi32, #tpu.memory_space<vmem>>) target_semaphore(%run_scoped3A : memref<!tpu.dma_semaphore, #tpu.memory_space<semaphore_mem>>)
        %dma_wait3A = arith.constant 0 : i32
        %dma_wait3A_125 = arith.constant 0 : i32
        %dma_wait3A_126 = tpu.memref_slice %arg5[%dma_wait3A, %dma_wait3A_125] : memref<2x8192xi32, #tpu.memory_space<vmem>> -> memref<2x8192xi32, #tpu.memory_space<vmem>>
        %dma_wait3A_127 = arith.constant 0 : i32
        %dma_wait3A_128 = tpu.memref_slice %arg3[%dma_wait3A_127, %mul3A_61] : memref<2x320000xi32, #tpu.memory_space<hbm>> -> memref<2x8192xi32, #tpu.memory_space<hbm>>
        %dma_wait3A_129 = arith.constant 0 : i32
        %dma_wait3A_130 = arith.constant 0 : i32
        %dma_wait3A_131 = tpu.memref_slice %arg5[%dma_wait3A_129, %dma_wait3A_130] : memref<2x8192xi32, #tpu.memory_space<vmem>> -> memref<2x8192xi32, #tpu.memory_space<vmem>>
        %dma_wait3A_132 = arith.constant 0 : i32
        %dma_wait3A_133 = tpu.memref_slice %arg3[%dma_wait3A_132, %mul3A_61] : memref<2x320000xi32, #tpu.memory_space<hbm>> -> memref<2x8192xi32, #tpu.memory_space<hbm>>
        tpu.wait_dma2 semaphore(%run_scoped3A : memref<!tpu.dma_semaphore, #tpu.memory_space<semaphore_mem>>) src(%dma_wait3A_133 : memref<2x8192xi32, #tpu.memory_space<hbm>>) dst(%dma_wait3A_131 : memref<2x8192xi32, #tpu.memory_space<vmem>>)
        tpu.yield
      }) : () -> ()
      %dma_start3A = arith.constant 0 : i32
      %dma_start3A_62 = arith.constant 0 : i32
      %dma_start3A_63 = tpu.memref_slice %arg5[%dma_start3A, %dma_start3A_62] : memref<2x8192xi32, #tpu.memory_space<vmem>> -> memref<1x64xi32, #tpu.memory_space<vmem>>
      %dma_start3A_64 = tpu.memref_squeeze %dma_start3A_63 : memref<1x64xi32, #tpu.memory_space<vmem>> -> memref<64xi32, #tpu.memory_space<vmem>>
      %dma_start3A_65 = arith.constant 0 : i32
      %dma_start3A_66 = arith.constant 0 : i32
      %dma_start3A_67 = tpu.memref_slice %arg2[%dma_start3A_65, %dma_start3A_66] : memref<10000x128xf32, #tpu.memory_space<hbm>> -> memref<10000x128xf32, #tpu.memory_space<hbm>>
      tpu.enqueue_indirect_dma source(%dma_start3A_67 : memref<10000x128xf32, #tpu.memory_space<hbm>>) target(%arg6 : memref<64x128xf32, #tpu.memory_space<vmem>>) offsets(%dma_start3A_64 : memref<64xi32, #tpu.memory_space<vmem>>) semaphore(%arg11 : memref<!tpu.dma_semaphore, #tpu.memory_space<semaphore_mem>>)
      %dma_start3A_68 = arith.constant 0 : i32
      %dma_start3A_69 = arith.constant 64 : i32
      %dma_start3A_70 = tpu.memref_slice %arg5[%dma_start3A_68, %dma_start3A_69] : memref<2x8192xi32, #tpu.memory_space<vmem>> -> memref<1x64xi32, #tpu.memory_space<vmem>>
      %dma_start3A_71 = tpu.memref_squeeze %dma_start3A_70 : memref<1x64xi32, #tpu.memory_space<vmem>> -> memref<64xi32, #tpu.memory_space<vmem>>
      %dma_start3A_72 = arith.constant 0 : i32
      %dma_start3A_73 = arith.constant 0 : i32
      %dma_start3A_74 = tpu.memref_slice %arg2[%dma_start3A_72, %dma_start3A_73] : memref<10000x128xf32, #tpu.memory_space<hbm>> -> memref<10000x128xf32, #tpu.memory_space<hbm>>
      tpu.enqueue_indirect_dma source(%dma_start3A_74 : memref<10000x128xf32, #tpu.memory_space<hbm>>) target(%arg7 : memref<64x128xf32, #tpu.memory_space<vmem>>) offsets(%dma_start3A_71 : memref<64xi32, #tpu.memory_space<vmem>>) semaphore(%arg12 : memref<!tpu.dma_semaphore, #tpu.memory_space<semaphore_mem>>)
      %dma_start3A_75 = arith.constant 0 : i32
      %dma_start3A_76 = arith.constant 128 : i32
      %dma_start3A_77 = tpu.memref_slice %arg5[%dma_start3A_75, %dma_start3A_76] : memref<2x8192xi32, #tpu.memory_space<vmem>> -> memref<1x64xi32, #tpu.memory_space<vmem>>
      %dma_start3A_78 = tpu.memref_squeeze %dma_start3A_77 : memref<1x64xi32, #tpu.memory_space<vmem>> -> memref<64xi32, #tpu.memory_space<vmem>>
      %dma_start3A_79 = arith.constant 0 : i32
      %dma_start3A_80 = arith.constant 0 : i32
      %dma_start3A_81 = tpu.memref_slice %arg2[%dma_start3A_79, %dma_start3A_80] : memref<10000x128xf32, #tpu.memory_space<hbm>> -> memref<10000x128xf32, #tpu.memory_space<hbm>>
      tpu.enqueue_indirect_dma source(%dma_start3A_81 : memref<10000x128xf32, #tpu.memory_space<hbm>>) target(%arg8 : memref<64x128xf32, #tpu.memory_space<vmem>>) offsets(%dma_start3A_78 : memref<64xi32, #tpu.memory_space<vmem>>) semaphore(%arg13 : memref<!tpu.dma_semaphore, #tpu.memory_space<semaphore_mem>>)
      %scan3A_82 = arith.constant 0 : i32
      %scan3A_83 = arith.constant 32 : i32
      %scan3A_84 = arith.addi %scan3A_82, %scan3A_83 : i32
      %scan3A_85 = arith.constant 1 : i32
      scf.for %scan3A_115 = %scan3A_82 to %scan3A_84 step %scan3A_85  : i32 {
        %mul3A_116 = arith.constant 1 : i32
        %mul3A_117 = arith.muli %scan3A_115, %mul3A_116 : i32
        %add3A_118 = arith.constant 0 : i32
        %add3A_119 = arith.addi %add3A_118, %mul3A_117 : i32
        %mul3A_120 = arith.constant 4 : i32
        %mul3A_121 = arith.muli %mul3A_120, %add3A_119 : i32
        %add3A_122 = arith.constant 0 : i32
        %add3A_123 = arith.addi %mul3A_121, %add3A_122 : i32
        %dma_wait3A = arith.constant 0 : i32
        %dma_wait3A_124 = arith.constant 0 : i32
        %dma_wait3A_125 = tpu.memref_slice %arg5[%dma_wait3A, %dma_wait3A_124] : memref<2x8192xi32, #tpu.memory_space<vmem>> -> memref<1x64xi32, #tpu.memory_space<vmem>>
        %dma_wait3A_126 = tpu.memref_squeeze %dma_wait3A_125 : memref<1x64xi32, #tpu.memory_space<vmem>> -> memref<64xi32, #tpu.memory_space<vmem>>
        %dma_wait3A_127 = arith.constant 0 : i32
        %dma_wait3A_128 = arith.constant 0 : i32
        %dma_wait3A_129 = tpu.memref_slice %arg2[%dma_wait3A_127, %dma_wait3A_128] : memref<10000x128xf32, #tpu.memory_space<hbm>> -> memref<10000x128xf32, #tpu.memory_space<hbm>>
        tpu.wait_indirect_dma semaphore(%arg11 : memref<!tpu.dma_semaphore, #tpu.memory_space<semaphore_mem>>) src(%dma_wait3A_129 : memref<10000x128xf32, #tpu.memory_space<hbm>>) dst(%arg6 : memref<64x128xf32, #tpu.memory_space<vmem>>)
        %add3A_130 = arith.constant 4 : i32
        %add3A_131 = arith.addi %add3A_123, %add3A_130 : i32
        %sub3A = arith.constant 1 : i32
        %sub3A_132 = arith.subi %add3A_131, %sub3A : i32
        %lt3A = arith.constant 128 : i32
        %lt3A_133 = arith.cmpi slt, %sub3A_132, %lt3A : i32
        %convert_element_type3A_134 = arith.extui %lt3A_133 : i1 to i32
        %cond3A_135 = arith.constant 0 : i32
        %cond3A_136 = arith.cmpi ne, %convert_element_type3A_134, %cond3A_135 : i32
        scf.if %cond3A_136 {
          %add3A_202 = arith.constant 4 : i32
          %add3A_203 = arith.addi %add3A_123, %add3A_202 : i32
          %sub3A_204 = arith.constant 1 : i32
          %sub3A_205 = arith.subi %add3A_203, %sub3A_204 : i32
          %mul3A_206 = arith.constant 64 : i32
          %mul3A_207 = arith.muli %sub3A_205, %mul3A_206 : i32
          %dma_start3A_208 = arith.constant 0 : i32
          %dma_start3A_209 = tpu.memref_slice %arg5[%dma_start3A_208, %mul3A_207] : memref<2x8192xi32, #tpu.memory_space<vmem>> -> memref<1x64xi32, #tpu.memory_space<vmem>>
          %dma_start3A_210 = tpu.memref_squeeze %dma_start3A_209 : memref<1x64xi32, #tpu.memory_space<vmem>> -> memref<64xi32, #tpu.memory_space<vmem>>
          %dma_start3A_211 = arith.constant 0 : i32
          %dma_start3A_212 = arith.constant 0 : i32
          %dma_start3A_213 = tpu.memref_slice %arg2[%dma_start3A_211, %dma_start3A_212] : memref<10000x128xf32, #tpu.memory_space<hbm>> -> memref<10000x128xf32, #tpu.memory_space<hbm>>
          tpu.enqueue_indirect_dma source(%dma_start3A_213 : memref<10000x128xf32, #tpu.memory_space<hbm>>) target(%arg9 : memref<64x128xf32, #tpu.memory_space<vmem>>) offsets(%dma_start3A_210 : memref<64xi32, #tpu.memory_space<vmem>>) semaphore(%arg14 : memref<!tpu.dma_semaphore, #tpu.memory_space<semaphore_mem>>)
        } else {
        }
        %mul3A_137 = arith.constant 64 : i32
        %mul3A_138 = arith.muli %add3A_123, %mul3A_137 : i32
        %run_scoped3A = arith.constant 1 : i32
        "tpu.region"() ({
          %run_scoped3A_202 = tpu.sem_alloc : memref<!tpu.dma_semaphore, #tpu.memory_space<semaphore_mem>>
          %dma_start3A_203 = tpu.memref_slice %arg5[%run_scoped3A, %mul3A_138] : memref<2x8192xi32, #tpu.memory_space<vmem>> -> memref<1x64xi32, #tpu.memory_space<vmem>>
          %dma_start3A_204 = tpu.memref_squeeze %dma_start3A_203 : memref<1x64xi32, #tpu.memory_space<vmem>> -> memref<64xi32, #tpu.memory_space<vmem>>
          %dma_start3A_205 = arith.constant 0 : i32
          %dma_start3A_206 = arith.constant 0 : i32
          %dma_start3A_207 = tpu.memref_slice %arg10[%dma_start3A_205, %dma_start3A_206] : memref<10240x128xf32, #tpu.memory_space<vmem_shared>> -> memref<10240x128xf32, #tpu.memory_space<vmem_shared>>
          tpu.enqueue_indirect_dma source(%arg6 : memref<64x128xf32, #tpu.memory_space<vmem>>) target(%dma_start3A_207 : memref<10240x128xf32, #tpu.memory_space<vmem_shared>>) offsets(%dma_start3A_204 : memref<64xi32, #tpu.memory_space<vmem>>) semaphore(%run_scoped3A_202 : memref<!tpu.dma_semaphore, #tpu.memory_space<semaphore_mem>>) {add = true}
          %dma_wait3A_208 = tpu.memref_slice %arg5[%run_scoped3A, %mul3A_138] : memref<2x8192xi32, #tpu.memory_space<vmem>> -> memref<1x64xi32, #tpu.memory_space<vmem>>
          %dma_wait3A_209 = tpu.memref_squeeze %dma_wait3A_208 : memref<1x64xi32, #tpu.memory_space<vmem>> -> memref<64xi32, #tpu.memory_space<vmem>>
          %dma_wait3A_210 = arith.constant 0 : i32
          %dma_wait3A_211 = arith.constant 0 : i32
          %dma_wait3A_212 = tpu.memref_slice %arg10[%dma_wait3A_210, %dma_wait3A_211] : memref<10240x128xf32, #tpu.memory_space<vmem_shared>> -> memref<10240x128xf32, #tpu.memory_space<vmem_shared>>
          tpu.wait_indirect_dma semaphore(%run_scoped3A_202 : memref<!tpu.dma_semaphore, #tpu.memory_space<semaphore_mem>>) src(%arg6 : memref<64x128xf32, #tpu.memory_space<vmem>>) dst(%dma_wait3A_212 : memref<10240x128xf32, #tpu.memory_space<vmem_shared>>)
          tpu.yield
        }) : () -> ()
        %add3A_139 = arith.constant 1 : i32
        %add3A_140 = arith.addi %mul3A_121, %add3A_139 : i32
        %dma_wait3A_141 = arith.constant 0 : i32
        %dma_wait3A_142 = arith.constant 0 : i32
        %dma_wait3A_143 = tpu.memref_slice %arg5[%dma_wait3A_141, %dma_wait3A_142] : memref<2x8192xi32, #tpu.memory_space<vmem>> -> memref<1x64xi32, #tpu.memory_space<vmem>>
        %dma_wait3A_144 = tpu.memref_squeeze %dma_wait3A_143 : memref<1x64xi32, #tpu.memory_space<vmem>> -> memref<64xi32, #tpu.memory_space<vmem>>
        %dma_wait3A_145 = arith.constant 0 : i32
        %dma_wait3A_146 = arith.constant 0 : i32
        %dma_wait3A_147 = tpu.memref_slice %arg2[%dma_wait3A_145, %dma_wait3A_146] : memref<10000x128xf32, #tpu.memory_space<hbm>> -> memref<10000x128xf32, #tpu.memory_space<hbm>>
        tpu.wait_indirect_dma semaphore(%arg12 : memref<!tpu.dma_semaphore, #tpu.memory_space<semaphore_mem>>) src(%dma_wait3A_147 : memref<10000x128xf32, #tpu.memory_space<hbm>>) dst(%arg7 : memref<64x128xf32, #tpu.memory_space<vmem>>)
        %add3A_148 = arith.constant 4 : i32
        %add3A_149 = arith.addi %add3A_140, %add3A_148 : i32
        %sub3A_150 = arith.constant 1 : i32
        %sub3A_151 = arith.subi %add3A_149, %sub3A_150 : i32
        %lt3A_152 = arith.constant 128 : i32
        %lt3A_153 = arith.cmpi slt, %sub3A_151, %lt3A_152 : i32
        %convert_element_type3A_154 = arith.extui %lt3A_153 : i1 to i32
        %cond3A_155 = arith.constant 0 : i32
        %cond3A_156 = arith.cmpi ne, %convert_element_type3A_154, %cond3A_155 : i32
        scf.if %cond3A_156 {
          %add3A_202 = arith.constant 4 : i32
          %add3A_203 = arith.addi %add3A_140, %add3A_202 : i32
          %sub3A_204 = arith.constant 1 : i32
          %sub3A_205 = arith.subi %add3A_203, %sub3A_204 : i32
          %mul3A_206 = arith.constant 64 : i32
          %mul3A_207 = arith.muli %sub3A_205, %mul3A_206 : i32
          %dma_start3A_208 = arith.constant 0 : i32
          %dma_start3A_209 = tpu.memref_slice %arg5[%dma_start3A_208, %mul3A_207] : memref<2x8192xi32, #tpu.memory_space<vmem>> -> memref<1x64xi32, #tpu.memory_space<vmem>>
          %dma_start3A_210 = tpu.memref_squeeze %dma_start3A_209 : memref<1x64xi32, #tpu.memory_space<vmem>> -> memref<64xi32, #tpu.memory_space<vmem>>
          %dma_start3A_211 = arith.constant 0 : i32
          %dma_start3A_212 = arith.constant 0 : i32
          %dma_start3A_213 = tpu.memref_slice %arg2[%dma_start3A_211, %dma_start3A_212] : memref<10000x128xf32, #tpu.memory_space<hbm>> -> memref<10000x128xf32, #tpu.memory_space<hbm>>
          tpu.enqueue_indirect_dma source(%dma_start3A_213 : memref<10000x128xf32, #tpu.memory_space<hbm>>) target(%arg6 : memref<64x128xf32, #tpu.memory_space<vmem>>) offsets(%dma_start3A_210 : memref<64xi32, #tpu.memory_space<vmem>>) semaphore(%arg11 : memref<!tpu.dma_semaphore, #tpu.memory_space<semaphore_mem>>)
        } else {
        }
        %mul3A_157 = arith.constant 64 : i32
        %mul3A_158 = arith.muli %add3A_140, %mul3A_157 : i32
        %run_scoped3A_159 = arith.constant 1 : i32
        "tpu.region"() ({
          %run_scoped3A_202 = tpu.sem_alloc : memref<!tpu.dma_semaphore, #tpu.memory_space<semaphore_mem>>
          %dma_start3A_203 = tpu.memref_slice %arg5[%run_scoped3A_159, %mul3A_158] : memref<2x8192xi32, #tpu.memory_space<vmem>> -> memref<1x64xi32, #tpu.memory_space<vmem>>
          %dma_start3A_204 = tpu.memref_squeeze %dma_start3A_203 : memref<1x64xi32, #tpu.memory_space<vmem>> -> memref<64xi32, #tpu.memory_space<vmem>>
          %dma_start3A_205 = arith.constant 0 : i32
          %dma_start3A_206 = arith.constant 0 : i32
          %dma_start3A_207 = tpu.memref_slice %arg10[%dma_start3A_205, %dma_start3A_206] : memref<10240x128xf32, #tpu.memory_space<vmem_shared>> -> memref<10240x128xf32, #tpu.memory_space<vmem_shared>>
          tpu.enqueue_indirect_dma source(%arg7 : memref<64x128xf32, #tpu.memory_space<vmem>>) target(%dma_start3A_207 : memref<10240x128xf32, #tpu.memory_space<vmem_shared>>) offsets(%dma_start3A_204 : memref<64xi32, #tpu.memory_space<vmem>>) semaphore(%run_scoped3A_202 : memref<!tpu.dma_semaphore, #tpu.memory_space<semaphore_mem>>) {add = true}
          %dma_wait3A_208 = tpu.memref_slice %arg5[%run_scoped3A_159, %mul3A_158] : memref<2x8192xi32, #tpu.memory_space<vmem>> -> memref<1x64xi32, #tpu.memory_space<vmem>>
          %dma_wait3A_209 = tpu.memref_squeeze %dma_wait3A_208 : memref<1x64xi32, #tpu.memory_space<vmem>> -> memref<64xi32, #tpu.memory_space<vmem>>
          %dma_wait3A_210 = arith.constant 0 : i32
          %dma_wait3A_211 = arith.constant 0 : i32
          %dma_wait3A_212 = tpu.memref_slice %arg10[%dma_wait3A_210, %dma_wait3A_211] : memref<10240x128xf32, #tpu.memory_space<vmem_shared>> -> memref<10240x128xf32, #tpu.memory_space<vmem_shared>>
          tpu.wait_indirect_dma semaphore(%run_scoped3A_202 : memref<!tpu.dma_semaphore, #tpu.memory_space<semaphore_mem>>) src(%arg7 : memref<64x128xf32, #tpu.memory_space<vmem>>) dst(%dma_wait3A_212 : memref<10240x128xf32, #tpu.memory_space<vmem_shared>>)
          tpu.yield
        }) : () -> ()
        %add3A_160 = arith.constant 2 : i32
        %add3A_161 = arith.addi %mul3A_121, %add3A_160 : i32
        %dma_wait3A_162 = arith.constant 0 : i32
        %dma_wait3A_163 = arith.constant 0 : i32
        %dma_wait3A_164 = tpu.memref_slice %arg5[%dma_wait3A_162, %dma_wait3A_163] : memref<2x8192xi32, #tpu.memory_space<vmem>> -> memref<1x64xi32, #tpu.memory_space<vmem>>
        %dma_wait3A_165 = tpu.memref_squeeze %dma_wait3A_164 : memref<1x64xi32, #tpu.memory_space<vmem>> -> memref<64xi32, #tpu.memory_space<vmem>>
        %dma_wait3A_166 = arith.constant 0 : i32
        %dma_wait3A_167 = arith.constant 0 : i32
        %dma_wait3A_168 = tpu.memref_slice %arg2[%dma_wait3A_166, %dma_wait3A_167] : memref<10000x128xf32, #tpu.memory_space<hbm>> -> memref<10000x128xf32, #tpu.memory_space<hbm>>
        tpu.wait_indirect_dma semaphore(%arg13 : memref<!tpu.dma_semaphore, #tpu.memory_space<semaphore_mem>>) src(%dma_wait3A_168 : memref<10000x128xf32, #tpu.memory_space<hbm>>) dst(%arg8 : memref<64x128xf32, #tpu.memory_space<vmem>>)
        %add3A_169 = arith.constant 4 : i32
        %add3A_170 = arith.addi %add3A_161, %add3A_169 : i32
        %sub3A_171 = arith.constant 1 : i32
        %sub3A_172 = arith.subi %add3A_170, %sub3A_171 : i32
        %lt3A_173 = arith.constant 128 : i32
        %lt3A_174 = arith.cmpi slt, %sub3A_172, %lt3A_173 : i32
        %convert_element_type3A_175 = arith.extui %lt3A_174 : i1 to i32
        %cond3A_176 = arith.constant 0 : i32
        %cond3A_177 = arith.cmpi ne, %convert_element_type3A_175, %cond3A_176 : i32
        scf.if %cond3A_177 {
          %add3A_202 = arith.constant 4 : i32
          %add3A_203 = arith.addi %add3A_161, %add3A_202 : i32
          %sub3A_204 = arith.constant 1 : i32
          %sub3A_205 = arith.subi %add3A_203, %sub3A_204 : i32
          %mul3A_206 = arith.constant 64 : i32
          %mul3A_207 = arith.muli %sub3A_205, %mul3A_206 : i32
          %dma_start3A_208 = arith.constant 0 : i32
          %dma_start3A_209 = tpu.memref_slice %arg5[%dma_start3A_208, %mul3A_207] : memref<2x8192xi32, #tpu.memory_space<vmem>> -> memref<1x64xi32, #tpu.memory_space<vmem>>
          %dma_start3A_210 = tpu.memref_squeeze %dma_start3A_209 : memref<1x64xi32, #tpu.memory_space<vmem>> -> memref<64xi32, #tpu.memory_space<vmem>>
          %dma_start3A_211 = arith.constant 0 : i32
          %dma_start3A_212 = arith.constant 0 : i32
          %dma_start3A_213 = tpu.memref_slice %arg2[%dma_start3A_211, %dma_start3A_212] : memref<10000x128xf32, #tpu.memory_space<hbm>> -> memref<10000x128xf32, #tpu.memory_space<hbm>>
          tpu.enqueue_indirect_dma source(%dma_start3A_213 : memref<10000x128xf32, #tpu.memory_space<hbm>>) target(%arg7 : memref<64x128xf32, #tpu.memory_space<vmem>>) offsets(%dma_start3A_210 : memref<64xi32, #tpu.memory_space<vmem>>) semaphore(%arg12 : memref<!tpu.dma_semaphore, #tpu.memory_space<semaphore_mem>>)
        } else {
        }
        %mul3A_178 = arith.constant 64 : i32
        %mul3A_179 = arith.muli %add3A_161, %mul3A_178 : i32
        %run_scoped3A_180 = arith.constant 1 : i32
        "tpu.region"() ({
          %run_scoped3A_202 = tpu.sem_alloc : memref<!tpu.dma_semaphore, #tpu.memory_space<semaphore_mem>>
          %dma_start3A_203 = tpu.memref_slice %arg5[%run_scoped3A_180, %mul3A_179] : memref<2x8192xi32, #tpu.memory_space<vmem>> -> memref<1x64xi32, #tpu.memory_space<vmem>>
          %dma_start3A_204 = tpu.memref_squeeze %dma_start3A_203 : memref<1x64xi32, #tpu.memory_space<vmem>> -> memref<64xi32, #tpu.memory_space<vmem>>
          %dma_start3A_205 = arith.constant 0 : i32
          %dma_start3A_206 = arith.constant 0 : i32
          %dma_start3A_207 = tpu.memref_slice %arg10[%dma_start3A_205, %dma_start3A_206] : memref<10240x128xf32, #tpu.memory_space<vmem_shared>> -> memref<10240x128xf32, #tpu.memory_space<vmem_shared>>
          tpu.enqueue_indirect_dma source(%arg8 : memref<64x128xf32, #tpu.memory_space<vmem>>) target(%dma_start3A_207 : memref<10240x128xf32, #tpu.memory_space<vmem_shared>>) offsets(%dma_start3A_204 : memref<64xi32, #tpu.memory_space<vmem>>) semaphore(%run_scoped3A_202 : memref<!tpu.dma_semaphore, #tpu.memory_space<semaphore_mem>>) {add = true}
          %dma_wait3A_208 = tpu.memref_slice %arg5[%run_scoped3A_180, %mul3A_179] : memref<2x8192xi32, #tpu.memory_space<vmem>> -> memref<1x64xi32, #tpu.memory_space<vmem>>
          %dma_wait3A_209 = tpu.memref_squeeze %dma_wait3A_208 : memref<1x64xi32, #tpu.memory_space<vmem>> -> memref<64xi32, #tpu.memory_space<vmem>>
          %dma_wait3A_210 = arith.constant 0 : i32
          %dma_wait3A_211 = arith.constant 0 : i32
          %dma_wait3A_212 = tpu.memref_slice %arg10[%dma_wait3A_210, %dma_wait3A_211] : memref<10240x128xf32, #tpu.memory_space<vmem_shared>> -> memref<10240x128xf32, #tpu.memory_space<vmem_shared>>
          tpu.wait_indirect_dma semaphore(%run_scoped3A_202 : memref<!tpu.dma_semaphore, #tpu.memory_space<semaphore_mem>>) src(%arg8 : memref<64x128xf32, #tpu.memory_space<vmem>>) dst(%dma_wait3A_212 : memref<10240x128xf32, #tpu.memory_space<vmem_shared>>)
          tpu.yield
        }) : () -> ()
        %add3A_181 = arith.constant 3 : i32
        %add3A_182 = arith.addi %mul3A_121, %add3A_181 : i32
        %dma_wait3A_183 = arith.constant 0 : i32
        %dma_wait3A_184 = arith.constant 0 : i32
        %dma_wait3A_185 = tpu.memref_slice %arg5[%dma_wait3A_183, %dma_wait3A_184] : memref<2x8192xi32, #tpu.memory_space<vmem>> -> memref<1x64xi32, #tpu.memory_space<vmem>>
        %dma_wait3A_186 = tpu.memref_squeeze %dma_wait3A_185 : memref<1x64xi32, #tpu.memory_space<vmem>> -> memref<64xi32, #tpu.memory_space<vmem>>
        %dma_wait3A_187 = arith.constant 0 : i32
        %dma_wait3A_188 = arith.constant 0 : i32
        %dma_wait3A_189 = tpu.memref_slice %arg2[%dma_wait3A_187, %dma_wait3A_188] : memref<10000x128xf32, #tpu.memory_space<hbm>> -> memref<10000x128xf32, #tpu.memory_space<hbm>>
        tpu.wait_indirect_dma semaphore(%arg14 : memref<!tpu.dma_semaphore, #tpu.memory_space<semaphore_mem>>) src(%dma_wait3A_189 : memref<10000x128xf32, #tpu.memory_space<hbm>>) dst(%arg9 : memref<64x128xf32, #tpu.memory_space<vmem>>)
        %add3A_190 = arith.constant 4 : i32
        %add3A_191 = arith.addi %add3A_182, %add3A_190 : i32
        %sub3A_192 = arith.constant 1 : i32
        %sub3A_193 = arith.subi %add3A_191, %sub3A_192 : i32
        %lt3A_194 = arith.constant 128 : i32
        %lt3A_195 = arith.cmpi slt, %sub3A_193, %lt3A_194 : i32
        %convert_element_type3A_196 = arith.extui %lt3A_195 : i1 to i32
        %cond3A_197 = arith.constant 0 : i32
        %cond3A_198 = arith.cmpi ne, %convert_element_type3A_196, %cond3A_197 : i32
        scf.if %cond3A_198 {
          %add3A_202 = arith.constant 4 : i32
          %add3A_203 = arith.addi %add3A_182, %add3A_202 : i32
          %sub3A_204 = arith.constant 1 : i32
          %sub3A_205 = arith.subi %add3A_203, %sub3A_204 : i32
          %mul3A_206 = arith.constant 64 : i32
          %mul3A_207 = arith.muli %sub3A_205, %mul3A_206 : i32
          %dma_start3A_208 = arith.constant 0 : i32
          %dma_start3A_209 = tpu.memref_slice %arg5[%dma_start3A_208, %mul3A_207] : memref<2x8192xi32, #tpu.memory_space<vmem>> -> memref<1x64xi32, #tpu.memory_space<vmem>>
          %dma_start3A_210 = tpu.memref_squeeze %dma_start3A_209 : memref<1x64xi32, #tpu.memory_space<vmem>> -> memref<64xi32, #tpu.memory_space<vmem>>
          %dma_start3A_211 = arith.constant 0 : i32
          %dma_start3A_212 = arith.constant 0 : i32
          %dma_start3A_213 = tpu.memref_slice %arg2[%dma_start3A_211, %dma_start3A_212] : memref<10000x128xf32, #tpu.memory_space<hbm>> -> memref<10000x128xf32, #tpu.memory_space<hbm>>
          tpu.enqueue_indirect_dma source(%dma_start3A_213 : memref<10000x128xf32, #tpu.memory_space<hbm>>) target(%arg8 : memref<64x128xf32, #tpu.memory_space<vmem>>) offsets(%dma_start3A_210 : memref<64xi32, #tpu.memory_space<vmem>>) semaphore(%arg13 : memref<!tpu.dma_semaphore, #tpu.memory_space<semaphore_mem>>)
        } else {
        }
        %mul3A_199 = arith.constant 64 : i32
        %mul3A_200 = arith.muli %add3A_182, %mul3A_199 : i32
        %run_scoped3A_201 = arith.constant 1 : i32
        "tpu.region"() ({
          %run_scoped3A_202 = tpu.sem_alloc : memref<!tpu.dma_semaphore, #tpu.memory_space<semaphore_mem>>
          %dma_start3A_203 = tpu.memref_slice %arg5[%run_scoped3A_201, %mul3A_200] : memref<2x8192xi32, #tpu.memory_space<vmem>> -> memref<1x64xi32, #tpu.memory_space<vmem>>
          %dma_start3A_204 = tpu.memref_squeeze %dma_start3A_203 : memref<1x64xi32, #tpu.memory_space<vmem>> -> memref<64xi32, #tpu.memory_space<vmem>>
          %dma_start3A_205 = arith.constant 0 : i32
          %dma_start3A_206 = arith.constant 0 : i32
          %dma_start3A_207 = tpu.memref_slice %arg10[%dma_start3A_205, %dma_start3A_206] : memref<10240x128xf32, #tpu.memory_space<vmem_shared>> -> memref<10240x128xf32, #tpu.memory_space<vmem_shared>>
          tpu.enqueue_indirect_dma source(%arg9 : memref<64x128xf32, #tpu.memory_space<vmem>>) target(%dma_start3A_207 : memref<10240x128xf32, #tpu.memory_space<vmem_shared>>) offsets(%dma_start3A_204 : memref<64xi32, #tpu.memory_space<vmem>>) semaphore(%run_scoped3A_202 : memref<!tpu.dma_semaphore, #tpu.memory_space<semaphore_mem>>) {add = true}
          %dma_wait3A_208 = tpu.memref_slice %arg5[%run_scoped3A_201, %mul3A_200] : memref<2x8192xi32, #tpu.memory_space<vmem>> -> memref<1x64xi32, #tpu.memory_space<vmem>>
          %dma_wait3A_209 = tpu.memref_squeeze %dma_wait3A_208 : memref<1x64xi32, #tpu.memory_space<vmem>> -> memref<64xi32, #tpu.memory_space<vmem>>
          %dma_wait3A_210 = arith.constant 0 : i32
          %dma_wait3A_211 = arith.constant 0 : i32
          %dma_wait3A_212 = tpu.memref_slice %arg10[%dma_wait3A_210, %dma_wait3A_211] : memref<10240x128xf32, #tpu.memory_space<vmem_shared>> -> memref<10240x128xf32, #tpu.memory_space<vmem_shared>>
          tpu.wait_indirect_dma semaphore(%run_scoped3A_202 : memref<!tpu.dma_semaphore, #tpu.memory_space<semaphore_mem>>) src(%arg9 : memref<64x128xf32, #tpu.memory_space<vmem>>) dst(%dma_wait3A_212 : memref<10240x128xf32, #tpu.memory_space<vmem_shared>>)
          tpu.yield
        }) : () -> ()
      }
      %scan3A_86 = arith.constant 32 : i32
      %add3A_87 = arith.constant 8192 : i32
      %add3A_88 = arith.addi %mul3A_61, %add3A_87 : i32
      "tpu.region"() ({
        %run_scoped3A = tpu.sem_alloc : memref<!tpu.dma_semaphore, #tpu.memory_space<semaphore_mem>>
        %dma_start3A_115 = arith.constant 0 : i32
        %dma_start3A_116 = arith.constant 0 : i32
        %dma_start3A_117 = tpu.memref_slice %arg5[%dma_start3A_115, %dma_start3A_116] : memref<2x8192xi32, #tpu.memory_space<vmem>> -> memref<2x7168xi32, #tpu.memory_space<vmem>>
        %dma_start3A_118 = arith.constant 0 : i32
        %dma_start3A_119 = tpu.memref_slice %arg3[%dma_start3A_118, %add3A_88] : memref<2x320000xi32, #tpu.memory_space<hbm>> -> memref<2x7168xi32, #tpu.memory_space<hbm>>
        %dma_start3A_120 = arith.constant 0 : i32
        %dma_start3A_121 = arith.constant 0 : i32
        %dma_start3A_122 = tpu.memref_slice %arg5[%dma_start3A_120, %dma_start3A_121] : memref<2x8192xi32, #tpu.memory_space<vmem>> -> memref<2x7168xi32, #tpu.memory_space<vmem>>
        %dma_start3A_123 = arith.constant 0 : i32
        %dma_start3A_124 = tpu.memref_slice %arg3[%dma_start3A_123, %add3A_88] : memref<2x320000xi32, #tpu.memory_space<hbm>> -> memref<2x7168xi32, #tpu.memory_space<hbm>>
        tpu.enqueue_dma source(%dma_start3A_124 : memref<2x7168xi32, #tpu.memory_space<hbm>>) target(%dma_start3A_122 : memref<2x7168xi32, #tpu.memory_space<vmem>>) target_semaphore(%run_scoped3A : memref<!tpu.dma_semaphore, #tpu.memory_space<semaphore_mem>>)
        %dma_wait3A = arith.constant 0 : i32
        %dma_wait3A_125 = arith.constant 0 : i32
        %dma_wait3A_126 = tpu.memref_slice %arg5[%dma_wait3A, %dma_wait3A_125] : memref<2x8192xi32, #tpu.memory_space<vmem>> -> memref<2x7168xi32, #tpu.memory_space<vmem>>
        %dma_wait3A_127 = arith.constant 0 : i32
        %dma_wait3A_128 = tpu.memref_slice %arg3[%dma_wait3A_127, %add3A_88] : memref<2x320000xi32, #tpu.memory_space<hbm>> -> memref<2x7168xi32, #tpu.memory_space<hbm>>
        %dma_wait3A_129 = arith.constant 0 : i32
        %dma_wait3A_130 = arith.constant 0 : i32
        %dma_wait3A_131 = tpu.memref_slice %arg5[%dma_wait3A_129, %dma_wait3A_130] : memref<2x8192xi32, #tpu.memory_space<vmem>> -> memref<2x7168xi32, #tpu.memory_space<vmem>>
        %dma_wait3A_132 = arith.constant 0 : i32
        %dma_wait3A_133 = tpu.memref_slice %arg3[%dma_wait3A_132, %add3A_88] : memref<2x320000xi32, #tpu.memory_space<hbm>> -> memref<2x7168xi32, #tpu.memory_space<hbm>>
        tpu.wait_dma2 semaphore(%run_scoped3A : memref<!tpu.dma_semaphore, #tpu.memory_space<semaphore_mem>>) src(%dma_wait3A_133 : memref<2x7168xi32, #tpu.memory_space<hbm>>) dst(%dma_wait3A_131 : memref<2x7168xi32, #tpu.memory_space<vmem>>)
        tpu.yield
      }) : () -> ()
      %dma_start3A_89 = arith.constant 0 : i32
      %dma_start3A_90 = arith.constant 0 : i32
      %dma_start3A_91 = tpu.memref_slice %arg5[%dma_start3A_89, %dma_start3A_90] : memref<2x8192xi32, #tpu.memory_space<vmem>> -> memref<1x64xi32, #tpu.memory_space<vmem>>
      %dma_start3A_92 = tpu.memref_squeeze %dma_start3A_91 : memref<1x64xi32, #tpu.memory_space<vmem>> -> memref<64xi32, #tpu.memory_space<vmem>>
      %dma_start3A_93 = arith.constant 0 : i32
      %dma_start3A_94 = arith.constant 0 : i32
      %dma_start3A_95 = tpu.memref_slice %arg2[%dma_start3A_93, %dma_start3A_94] : memref<10000x128xf32, #tpu.memory_space<hbm>> -> memref<10000x128xf32, #tpu.memory_space<hbm>>
      tpu.enqueue_indirect_dma source(%dma_start3A_95 : memref<10000x128xf32, #tpu.memory_space<hbm>>) target(%arg6 : memref<64x128xf32, #tpu.memory_space<vmem>>) offsets(%dma_start3A_92 : memref<64xi32, #tpu.memory_space<vmem>>) semaphore(%arg11 : memref<!tpu.dma_semaphore, #tpu.memory_space<semaphore_mem>>)
      %dma_start3A_96 = arith.constant 0 : i32
      %dma_start3A_97 = arith.constant 64 : i32
      %dma_start3A_98 = tpu.memref_slice %arg5[%dma_start3A_96, %dma_start3A_97] : memref<2x8192xi32, #tpu.memory_space<vmem>> -> memref<1x64xi32, #tpu.memory_space<vmem>>
      %dma_start3A_99 = tpu.memref_squeeze %dma_start3A_98 : memref<1x64xi32, #tpu.memory_space<vmem>> -> memref<64xi32, #tpu.memory_space<vmem>>
      %dma_start3A_100 = arith.constant 0 : i32
      %dma_start3A_101 = arith.constant 0 : i32
      %dma_start3A_102 = tpu.memref_slice %arg2[%dma_start3A_100, %dma_start3A_101] : memref<10000x128xf32, #tpu.memory_space<hbm>> -> memref<10000x128xf32, #tpu.memory_space<hbm>>
      tpu.enqueue_indirect_dma source(%dma_start3A_102 : memref<10000x128xf32, #tpu.memory_space<hbm>>) target(%arg7 : memref<64x128xf32, #tpu.memory_space<vmem>>) offsets(%dma_start3A_99 : memref<64xi32, #tpu.memory_space<vmem>>) semaphore(%arg12 : memref<!tpu.dma_semaphore, #tpu.memory_space<semaphore_mem>>)
      %dma_start3A_103 = arith.constant 0 : i32
      %dma_start3A_104 = arith.constant 128 : i32
      %dma_start3A_105 = tpu.memref_slice %arg5[%dma_start3A_103, %dma_start3A_104] : memref<2x8192xi32, #tpu.memory_space<vmem>> -> memref<1x64xi32, #tpu.memory_space<vmem>>
      %dma_start3A_106 = tpu.memref_squeeze %dma_start3A_105 : memref<1x64xi32, #tpu.memory_space<vmem>> -> memref<64xi32, #tpu.memory_space<vmem>>
      %dma_start3A_107 = arith.constant 0 : i32
      %dma_start3A_108 = arith.constant 0 : i32
      %dma_start3A_109 = tpu.memref_slice %arg2[%dma_start3A_107, %dma_start3A_108] : memref<10000x128xf32, #tpu.memory_space<hbm>> -> memref<10000x128xf32, #tpu.memory_space<hbm>>
      tpu.enqueue_indirect_dma source(%dma_start3A_109 : memref<10000x128xf32, #tpu.memory_space<hbm>>) target(%arg8 : memref<64x128xf32, #tpu.memory_space<vmem>>) offsets(%dma_start3A_106 : memref<64xi32, #tpu.memory_space<vmem>>) semaphore(%arg13 : memref<!tpu.dma_semaphore, #tpu.memory_space<semaphore_mem>>)
      %scan3A_110 = arith.constant 0 : i32
      %scan3A_111 = arith.constant 28 : i32
      %scan3A_112 = arith.addi %scan3A_110, %scan3A_111 : i32
      %scan3A_113 = arith.constant 1 : i32
      scf.for %scan3A_115 = %scan3A_110 to %scan3A_112 step %scan3A_113  : i32 {
        %mul3A_116 = arith.constant 1 : i32
        %mul3A_117 = arith.muli %scan3A_115, %mul3A_116 : i32
        %add3A_118 = arith.constant 0 : i32
        %add3A_119 = arith.addi %add3A_118, %mul3A_117 : i32
        %mul3A_120 = arith.constant 4 : i32
        %mul3A_121 = arith.muli %mul3A_120, %add3A_119 : i32
        %add3A_122 = arith.constant 0 : i32
        %add3A_123 = arith.addi %mul3A_121, %add3A_122 : i32
        %dma_wait3A = arith.constant 0 : i32
        %dma_wait3A_124 = arith.constant 0 : i32
        %dma_wait3A_125 = tpu.memref_slice %arg5[%dma_wait3A, %dma_wait3A_124] : memref<2x8192xi32, #tpu.memory_space<vmem>> -> memref<1x64xi32, #tpu.memory_space<vmem>>
        %dma_wait3A_126 = tpu.memref_squeeze %dma_wait3A_125 : memref<1x64xi32, #tpu.memory_space<vmem>> -> memref<64xi32, #tpu.memory_space<vmem>>
        %dma_wait3A_127 = arith.constant 0 : i32
        %dma_wait3A_128 = arith.constant 0 : i32
        %dma_wait3A_129 = tpu.memref_slice %arg2[%dma_wait3A_127, %dma_wait3A_128] : memref<10000x128xf32, #tpu.memory_space<hbm>> -> memref<10000x128xf32, #tpu.memory_space<hbm>>
        tpu.wait_indirect_dma semaphore(%arg11 : memref<!tpu.dma_semaphore, #tpu.memory_space<semaphore_mem>>) src(%dma_wait3A_129 : memref<10000x128xf32, #tpu.memory_space<hbm>>) dst(%arg6 : memref<64x128xf32, #tpu.memory_space<vmem>>)
        %add3A_130 = arith.constant 4 : i32
        %add3A_131 = arith.addi %add3A_123, %add3A_130 : i32
        %sub3A = arith.constant 1 : i32
        %sub3A_132 = arith.subi %add3A_131, %sub3A : i32
        %lt3A = arith.constant 112 : i32
        %lt3A_133 = arith.cmpi slt, %sub3A_132, %lt3A : i32
        %convert_element_type3A_134 = arith.extui %lt3A_133 : i1 to i32
        %cond3A_135 = arith.constant 0 : i32
        %cond3A_136 = arith.cmpi ne, %convert_element_type3A_134, %cond3A_135 : i32
        scf.if %cond3A_136 {
          %add3A_202 = arith.constant 4 : i32
          %add3A_203 = arith.addi %add3A_123, %add3A_202 : i32
          %sub3A_204 = arith.constant 1 : i32
          %sub3A_205 = arith.subi %add3A_203, %sub3A_204 : i32
          %mul3A_206 = arith.constant 64 : i32
          %mul3A_207 = arith.muli %sub3A_205, %mul3A_206 : i32
          %dma_start3A_208 = arith.constant 0 : i32
          %dma_start3A_209 = tpu.memref_slice %arg5[%dma_start3A_208, %mul3A_207] : memref<2x8192xi32, #tpu.memory_space<vmem>> -> memref<1x64xi32, #tpu.memory_space<vmem>>
          %dma_start3A_210 = tpu.memref_squeeze %dma_start3A_209 : memref<1x64xi32, #tpu.memory_space<vmem>> -> memref<64xi32, #tpu.memory_space<vmem>>
          %dma_start3A_211 = arith.constant 0 : i32
          %dma_start3A_212 = arith.constant 0 : i32
          %dma_start3A_213 = tpu.memref_slice %arg2[%dma_start3A_211, %dma_start3A_212] : memref<10000x128xf32, #tpu.memory_space<hbm>> -> memref<10000x128xf32, #tpu.memory_space<hbm>>
          tpu.enqueue_indirect_dma source(%dma_start3A_213 : memref<10000x128xf32, #tpu.memory_space<hbm>>) target(%arg9 : memref<64x128xf32, #tpu.memory_space<vmem>>) offsets(%dma_start3A_210 : memref<64xi32, #tpu.memory_space<vmem>>) semaphore(%arg14 : memref<!tpu.dma_semaphore, #tpu.memory_space<semaphore_mem>>)
        } else {
        }
        %mul3A_137 = arith.constant 64 : i32
        %mul3A_138 = arith.muli %add3A_123, %mul3A_137 : i32
        %run_scoped3A = arith.constant 1 : i32
        "tpu.region"() ({
          %run_scoped3A_202 = tpu.sem_alloc : memref<!tpu.dma_semaphore, #tpu.memory_space<semaphore_mem>>
          %dma_start3A_203 = tpu.memref_slice %arg5[%run_scoped3A, %mul3A_138] : memref<2x8192xi32, #tpu.memory_space<vmem>> -> memref<1x64xi32, #tpu.memory_space<vmem>>
          %dma_start3A_204 = tpu.memref_squeeze %dma_start3A_203 : memref<1x64xi32, #tpu.memory_space<vmem>> -> memref<64xi32, #tpu.memory_space<vmem>>
          %dma_start3A_205 = arith.constant 0 : i32
          %dma_start3A_206 = arith.constant 0 : i32
          %dma_start3A_207 = tpu.memref_slice %arg10[%dma_start3A_205, %dma_start3A_206] : memref<10240x128xf32, #tpu.memory_space<vmem_shared>> -> memref<10240x128xf32, #tpu.memory_space<vmem_shared>>
          tpu.enqueue_indirect_dma source(%arg6 : memref<64x128xf32, #tpu.memory_space<vmem>>) target(%dma_start3A_207 : memref<10240x128xf32, #tpu.memory_space<vmem_shared>>) offsets(%dma_start3A_204 : memref<64xi32, #tpu.memory_space<vmem>>) semaphore(%run_scoped3A_202 : memref<!tpu.dma_semaphore, #tpu.memory_space<semaphore_mem>>) {add = true}
          %dma_wait3A_208 = tpu.memref_slice %arg5[%run_scoped3A, %mul3A_138] : memref<2x8192xi32, #tpu.memory_space<vmem>> -> memref<1x64xi32, #tpu.memory_space<vmem>>
          %dma_wait3A_209 = tpu.memref_squeeze %dma_wait3A_208 : memref<1x64xi32, #tpu.memory_space<vmem>> -> memref<64xi32, #tpu.memory_space<vmem>>
          %dma_wait3A_210 = arith.constant 0 : i32
          %dma_wait3A_211 = arith.constant 0 : i32
          %dma_wait3A_212 = tpu.memref_slice %arg10[%dma_wait3A_210, %dma_wait3A_211] : memref<10240x128xf32, #tpu.memory_space<vmem_shared>> -> memref<10240x128xf32, #tpu.memory_space<vmem_shared>>
          tpu.wait_indirect_dma semaphore(%run_scoped3A_202 : memref<!tpu.dma_semaphore, #tpu.memory_space<semaphore_mem>>) src(%arg6 : memref<64x128xf32, #tpu.memory_space<vmem>>) dst(%dma_wait3A_212 : memref<10240x128xf32, #tpu.memory_space<vmem_shared>>)
          tpu.yield
        }) : () -> ()
        %add3A_139 = arith.constant 1 : i32
        %add3A_140 = arith.addi %mul3A_121, %add3A_139 : i32
        %dma_wait3A_141 = arith.constant 0 : i32
        %dma_wait3A_142 = arith.constant 0 : i32
        %dma_wait3A_143 = tpu.memref_slice %arg5[%dma_wait3A_141, %dma_wait3A_142] : memref<2x8192xi32, #tpu.memory_space<vmem>> -> memref<1x64xi32, #tpu.memory_space<vmem>>
        %dma_wait3A_144 = tpu.memref_squeeze %dma_wait3A_143 : memref<1x64xi32, #tpu.memory_space<vmem>> -> memref<64xi32, #tpu.memory_space<vmem>>
        %dma_wait3A_145 = arith.constant 0 : i32
        %dma_wait3A_146 = arith.constant 0 : i32
        %dma_wait3A_147 = tpu.memref_slice %arg2[%dma_wait3A_145, %dma_wait3A_146] : memref<10000x128xf32, #tpu.memory_space<hbm>> -> memref<10000x128xf32, #tpu.memory_space<hbm>>
        tpu.wait_indirect_dma semaphore(%arg12 : memref<!tpu.dma_semaphore, #tpu.memory_space<semaphore_mem>>) src(%dma_wait3A_147 : memref<10000x128xf32, #tpu.memory_space<hbm>>) dst(%arg7 : memref<64x128xf32, #tpu.memory_space<vmem>>)
        %add3A_148 = arith.constant 4 : i32
        %add3A_149 = arith.addi %add3A_140, %add3A_148 : i32
        %sub3A_150 = arith.constant 1 : i32
        %sub3A_151 = arith.subi %add3A_149, %sub3A_150 : i32
        %lt3A_152 = arith.constant 112 : i32
        %lt3A_153 = arith.cmpi slt, %sub3A_151, %lt3A_152 : i32
        %convert_element_type3A_154 = arith.extui %lt3A_153 : i1 to i32
        %cond3A_155 = arith.constant 0 : i32
        %cond3A_156 = arith.cmpi ne, %convert_element_type3A_154, %cond3A_155 : i32
        scf.if %cond3A_156 {
          %add3A_202 = arith.constant 4 : i32
          %add3A_203 = arith.addi %add3A_140, %add3A_202 : i32
          %sub3A_204 = arith.constant 1 : i32
          %sub3A_205 = arith.subi %add3A_203, %sub3A_204 : i32
          %mul3A_206 = arith.constant 64 : i32
          %mul3A_207 = arith.muli %sub3A_205, %mul3A_206 : i32
          %dma_start3A_208 = arith.constant 0 : i32
          %dma_start3A_209 = tpu.memref_slice %arg5[%dma_start3A_208, %mul3A_207] : memref<2x8192xi32, #tpu.memory_space<vmem>> -> memref<1x64xi32, #tpu.memory_space<vmem>>
          %dma_start3A_210 = tpu.memref_squeeze %dma_start3A_209 : memref<1x64xi32, #tpu.memory_space<vmem>> -> memref<64xi32, #tpu.memory_space<vmem>>
          %dma_start3A_211 = arith.constant 0 : i32
          %dma_start3A_212 = arith.constant 0 : i32
          %dma_start3A_213 = tpu.memref_slice %arg2[%dma_start3A_211, %dma_start3A_212] : memref<10000x128xf32, #tpu.memory_space<hbm>> -> memref<10000x128xf32, #tpu.memory_space<hbm>>
          tpu.enqueue_indirect_dma source(%dma_start3A_213 : memref<10000x128xf32, #tpu.memory_space<hbm>>) target(%arg6 : memref<64x128xf32, #tpu.memory_space<vmem>>) offsets(%dma_start3A_210 : memref<64xi32, #tpu.memory_space<vmem>>) semaphore(%arg11 : memref<!tpu.dma_semaphore, #tpu.memory_space<semaphore_mem>>)
        } else {
        }
        %mul3A_157 = arith.constant 64 : i32
        %mul3A_158 = arith.muli %add3A_140, %mul3A_157 : i32
        %run_scoped3A_159 = arith.constant 1 : i32
        "tpu.region"() ({
          %run_scoped3A_202 = tpu.sem_alloc : memref<!tpu.dma_semaphore, #tpu.memory_space<semaphore_mem>>
          %dma_start3A_203 = tpu.memref_slice %arg5[%run_scoped3A_159, %mul3A_158] : memref<2x8192xi32, #tpu.memory_space<vmem>> -> memref<1x64xi32, #tpu.memory_space<vmem>>
          %dma_start3A_204 = tpu.memref_squeeze %dma_start3A_203 : memref<1x64xi32, #tpu.memory_space<vmem>> -> memref<64xi32, #tpu.memory_space<vmem>>
          %dma_start3A_205 = arith.constant 0 : i32
          %dma_start3A_206 = arith.constant 0 : i32
          %dma_start3A_207 = tpu.memref_slice %arg10[%dma_start3A_205, %dma_start3A_206] : memref<10240x128xf32, #tpu.memory_space<vmem_shared>> -> memref<10240x128xf32, #tpu.memory_space<vmem_shared>>
          tpu.enqueue_indirect_dma source(%arg7 : memref<64x128xf32, #tpu.memory_space<vmem>>) target(%dma_start3A_207 : memref<10240x128xf32, #tpu.memory_space<vmem_shared>>) offsets(%dma_start3A_204 : memref<64xi32, #tpu.memory_space<vmem>>) semaphore(%run_scoped3A_202 : memref<!tpu.dma_semaphore, #tpu.memory_space<semaphore_mem>>) {add = true}
          %dma_wait3A_208 = tpu.memref_slice %arg5[%run_scoped3A_159, %mul3A_158] : memref<2x8192xi32, #tpu.memory_space<vmem>> -> memref<1x64xi32, #tpu.memory_space<vmem>>
          %dma_wait3A_209 = tpu.memref_squeeze %dma_wait3A_208 : memref<1x64xi32, #tpu.memory_space<vmem>> -> memref<64xi32, #tpu.memory_space<vmem>>
          %dma_wait3A_210 = arith.constant 0 : i32
          %dma_wait3A_211 = arith.constant 0 : i32
          %dma_wait3A_212 = tpu.memref_slice %arg10[%dma_wait3A_210, %dma_wait3A_211] : memref<10240x128xf32, #tpu.memory_space<vmem_shared>> -> memref<10240x128xf32, #tpu.memory_space<vmem_shared>>
          tpu.wait_indirect_dma semaphore(%run_scoped3A_202 : memref<!tpu.dma_semaphore, #tpu.memory_space<semaphore_mem>>) src(%arg7 : memref<64x128xf32, #tpu.memory_space<vmem>>) dst(%dma_wait3A_212 : memref<10240x128xf32, #tpu.memory_space<vmem_shared>>)
          tpu.yield
        }) : () -> ()
        %add3A_160 = arith.constant 2 : i32
        %add3A_161 = arith.addi %mul3A_121, %add3A_160 : i32
        %dma_wait3A_162 = arith.constant 0 : i32
        %dma_wait3A_163 = arith.constant 0 : i32
        %dma_wait3A_164 = tpu.memref_slice %arg5[%dma_wait3A_162, %dma_wait3A_163] : memref<2x8192xi32, #tpu.memory_space<vmem>> -> memref<1x64xi32, #tpu.memory_space<vmem>>
        %dma_wait3A_165 = tpu.memref_squeeze %dma_wait3A_164 : memref<1x64xi32, #tpu.memory_space<vmem>> -> memref<64xi32, #tpu.memory_space<vmem>>
        %dma_wait3A_166 = arith.constant 0 : i32
        %dma_wait3A_167 = arith.constant 0 : i32
        %dma_wait3A_168 = tpu.memref_slice %arg2[%dma_wait3A_166, %dma_wait3A_167] : memref<10000x128xf32, #tpu.memory_space<hbm>> -> memref<10000x128xf32, #tpu.memory_space<hbm>>
        tpu.wait_indirect_dma semaphore(%arg13 : memref<!tpu.dma_semaphore, #tpu.memory_space<semaphore_mem>>) src(%dma_wait3A_168 : memref<10000x128xf32, #tpu.memory_space<hbm>>) dst(%arg8 : memref<64x128xf32, #tpu.memory_space<vmem>>)
        %add3A_169 = arith.constant 4 : i32
        %add3A_170 = arith.addi %add3A_161, %add3A_169 : i32
        %sub3A_171 = arith.constant 1 : i32
        %sub3A_172 = arith.subi %add3A_170, %sub3A_171 : i32
        %lt3A_173 = arith.constant 112 : i32
        %lt3A_174 = arith.cmpi slt, %sub3A_172, %lt3A_173 : i32
        %convert_element_type3A_175 = arith.extui %lt3A_174 : i1 to i32
        %cond3A_176 = arith.constant 0 : i32
        %cond3A_177 = arith.cmpi ne, %convert_element_type3A_175, %cond3A_176 : i32
        scf.if %cond3A_177 {
          %add3A_202 = arith.constant 4 : i32
          %add3A_203 = arith.addi %add3A_161, %add3A_202 : i32
          %sub3A_204 = arith.constant 1 : i32
          %sub3A_205 = arith.subi %add3A_203, %sub3A_204 : i32
          %mul3A_206 = arith.constant 64 : i32
          %mul3A_207 = arith.muli %sub3A_205, %mul3A_206 : i32
          %dma_start3A_208 = arith.constant 0 : i32
          %dma_start3A_209 = tpu.memref_slice %arg5[%dma_start3A_208, %mul3A_207] : memref<2x8192xi32, #tpu.memory_space<vmem>> -> memref<1x64xi32, #tpu.memory_space<vmem>>
          %dma_start3A_210 = tpu.memref_squeeze %dma_start3A_209 : memref<1x64xi32, #tpu.memory_space<vmem>> -> memref<64xi32, #tpu.memory_space<vmem>>
          %dma_start3A_211 = arith.constant 0 : i32
          %dma_start3A_212 = arith.constant 0 : i32
          %dma_start3A_213 = tpu.memref_slice %arg2[%dma_start3A_211, %dma_start3A_212] : memref<10000x128xf32, #tpu.memory_space<hbm>> -> memref<10000x128xf32, #tpu.memory_space<hbm>>
          tpu.enqueue_indirect_dma source(%dma_start3A_213 : memref<10000x128xf32, #tpu.memory_space<hbm>>) target(%arg7 : memref<64x128xf32, #tpu.memory_space<vmem>>) offsets(%dma_start3A_210 : memref<64xi32, #tpu.memory_space<vmem>>) semaphore(%arg12 : memref<!tpu.dma_semaphore, #tpu.memory_space<semaphore_mem>>)
        } else {
        }
        %mul3A_178 = arith.constant 64 : i32
        %mul3A_179 = arith.muli %add3A_161, %mul3A_178 : i32
        %run_scoped3A_180 = arith.constant 1 : i32
        "tpu.region"() ({
          %run_scoped3A_202 = tpu.sem_alloc : memref<!tpu.dma_semaphore, #tpu.memory_space<semaphore_mem>>
          %dma_start3A_203 = tpu.memref_slice %arg5[%run_scoped3A_180, %mul3A_179] : memref<2x8192xi32, #tpu.memory_space<vmem>> -> memref<1x64xi32, #tpu.memory_space<vmem>>
          %dma_start3A_204 = tpu.memref_squeeze %dma_start3A_203 : memref<1x64xi32, #tpu.memory_space<vmem>> -> memref<64xi32, #tpu.memory_space<vmem>>
          %dma_start3A_205 = arith.constant 0 : i32
          %dma_start3A_206 = arith.constant 0 : i32
          %dma_start3A_207 = tpu.memref_slice %arg10[%dma_start3A_205, %dma_start3A_206] : memref<10240x128xf32, #tpu.memory_space<vmem_shared>> -> memref<10240x128xf32, #tpu.memory_space<vmem_shared>>
          tpu.enqueue_indirect_dma source(%arg8 : memref<64x128xf32, #tpu.memory_space<vmem>>) target(%dma_start3A_207 : memref<10240x128xf32, #tpu.memory_space<vmem_shared>>) offsets(%dma_start3A_204 : memref<64xi32, #tpu.memory_space<vmem>>) semaphore(%run_scoped3A_202 : memref<!tpu.dma_semaphore, #tpu.memory_space<semaphore_mem>>) {add = true}
          %dma_wait3A_208 = tpu.memref_slice %arg5[%run_scoped3A_180, %mul3A_179] : memref<2x8192xi32, #tpu.memory_space<vmem>> -> memref<1x64xi32, #tpu.memory_space<vmem>>
          %dma_wait3A_209 = tpu.memref_squeeze %dma_wait3A_208 : memref<1x64xi32, #tpu.memory_space<vmem>> -> memref<64xi32, #tpu.memory_space<vmem>>
          %dma_wait3A_210 = arith.constant 0 : i32
          %dma_wait3A_211 = arith.constant 0 : i32
          %dma_wait3A_212 = tpu.memref_slice %arg10[%dma_wait3A_210, %dma_wait3A_211] : memref<10240x128xf32, #tpu.memory_space<vmem_shared>> -> memref<10240x128xf32, #tpu.memory_space<vmem_shared>>
          tpu.wait_indirect_dma semaphore(%run_scoped3A_202 : memref<!tpu.dma_semaphore, #tpu.memory_space<semaphore_mem>>) src(%arg8 : memref<64x128xf32, #tpu.memory_space<vmem>>) dst(%dma_wait3A_212 : memref<10240x128xf32, #tpu.memory_space<vmem_shared>>)
          tpu.yield
        }) : () -> ()
        %add3A_181 = arith.constant 3 : i32
        %add3A_182 = arith.addi %mul3A_121, %add3A_181 : i32
        %dma_wait3A_183 = arith.constant 0 : i32
        %dma_wait3A_184 = arith.constant 0 : i32
        %dma_wait3A_185 = tpu.memref_slice %arg5[%dma_wait3A_183, %dma_wait3A_184] : memref<2x8192xi32, #tpu.memory_space<vmem>> -> memref<1x64xi32, #tpu.memory_space<vmem>>
        %dma_wait3A_186 = tpu.memref_squeeze %dma_wait3A_185 : memref<1x64xi32, #tpu.memory_space<vmem>> -> memref<64xi32, #tpu.memory_space<vmem>>
        %dma_wait3A_187 = arith.constant 0 : i32
        %dma_wait3A_188 = arith.constant 0 : i32
        %dma_wait3A_189 = tpu.memref_slice %arg2[%dma_wait3A_187, %dma_wait3A_188] : memref<10000x128xf32, #tpu.memory_space<hbm>> -> memref<10000x128xf32, #tpu.memory_space<hbm>>
        tpu.wait_indirect_dma semaphore(%arg14 : memref<!tpu.dma_semaphore, #tpu.memory_space<semaphore_mem>>) src(%dma_wait3A_189 : memref<10000x128xf32, #tpu.memory_space<hbm>>) dst(%arg9 : memref<64x128xf32, #tpu.memory_space<vmem>>)
        %add3A_190 = arith.constant 4 : i32
        %add3A_191 = arith.addi %add3A_182, %add3A_190 : i32
        %sub3A_192 = arith.constant 1 : i32
        %sub3A_193 = arith.subi %add3A_191, %sub3A_192 : i32
        %lt3A_194 = arith.constant 112 : i32
        %lt3A_195 = arith.cmpi slt, %sub3A_193, %lt3A_194 : i32
        %convert_element_type3A_196 = arith.extui %lt3A_195 : i1 to i32
        %cond3A_197 = arith.constant 0 : i32
        %cond3A_198 = arith.cmpi ne, %convert_element_type3A_196, %cond3A_197 : i32
        scf.if %cond3A_198 {
          %add3A_202 = arith.constant 4 : i32
          %add3A_203 = arith.addi %add3A_182, %add3A_202 : i32
          %sub3A_204 = arith.constant 1 : i32
          %sub3A_205 = arith.subi %add3A_203, %sub3A_204 : i32
          %mul3A_206 = arith.constant 64 : i32
          %mul3A_207 = arith.muli %sub3A_205, %mul3A_206 : i32
          %dma_start3A_208 = arith.constant 0 : i32
          %dma_start3A_209 = tpu.memref_slice %arg5[%dma_start3A_208, %mul3A_207] : memref<2x8192xi32, #tpu.memory_space<vmem>> -> memref<1x64xi32, #tpu.memory_space<vmem>>
          %dma_start3A_210 = tpu.memref_squeeze %dma_start3A_209 : memref<1x64xi32, #tpu.memory_space<vmem>> -> memref<64xi32, #tpu.memory_space<vmem>>
          %dma_start3A_211 = arith.constant 0 : i32
          %dma_start3A_212 = arith.constant 0 : i32
          %dma_start3A_213 = tpu.memref_slice %arg2[%dma_start3A_211, %dma_start3A_212] : memref<10000x128xf32, #tpu.memory_space<hbm>> -> memref<10000x128xf32, #tpu.memory_space<hbm>>
          tpu.enqueue_indirect_dma source(%dma_start3A_213 : memref<10000x128xf32, #tpu.memory_space<hbm>>) target(%arg8 : memref<64x128xf32, #tpu.memory_space<vmem>>) offsets(%dma_start3A_210 : memref<64xi32, #tpu.memory_space<vmem>>) semaphore(%arg13 : memref<!tpu.dma_semaphore, #tpu.memory_space<semaphore_mem>>)
        } else {
        }
        %mul3A_199 = arith.constant 64 : i32
        %mul3A_200 = arith.muli %add3A_182, %mul3A_199 : i32
        %run_scoped3A_201 = arith.constant 1 : i32
        "tpu.region"() ({
          %run_scoped3A_202 = tpu.sem_alloc : memref<!tpu.dma_semaphore, #tpu.memory_space<semaphore_mem>>
          %dma_start3A_203 = tpu.memref_slice %arg5[%run_scoped3A_201, %mul3A_200] : memref<2x8192xi32, #tpu.memory_space<vmem>> -> memref<1x64xi32, #tpu.memory_space<vmem>>
          %dma_start3A_204 = tpu.memref_squeeze %dma_start3A_203 : memref<1x64xi32, #tpu.memory_space<vmem>> -> memref<64xi32, #tpu.memory_space<vmem>>
          %dma_start3A_205 = arith.constant 0 : i32
          %dma_start3A_206 = arith.constant 0 : i32
          %dma_start3A_207 = tpu.memref_slice %arg10[%dma_start3A_205, %dma_start3A_206] : memref<10240x128xf32, #tpu.memory_space<vmem_shared>> -> memref<10240x128xf32, #tpu.memory_space<vmem_shared>>
          tpu.enqueue_indirect_dma source(%arg9 : memref<64x128xf32, #tpu.memory_space<vmem>>) target(%dma_start3A_207 : memref<10240x128xf32, #tpu.memory_space<vmem_shared>>) offsets(%dma_start3A_204 : memref<64xi32, #tpu.memory_space<vmem>>) semaphore(%run_scoped3A_202 : memref<!tpu.dma_semaphore, #tpu.memory_space<semaphore_mem>>) {add = true}
          %dma_wait3A_208 = tpu.memref_slice %arg5[%run_scoped3A_201, %mul3A_200] : memref<2x8192xi32, #tpu.memory_space<vmem>> -> memref<1x64xi32, #tpu.memory_space<vmem>>
          %dma_wait3A_209 = tpu.memref_squeeze %dma_wait3A_208 : memref<1x64xi32, #tpu.memory_space<vmem>> -> memref<64xi32, #tpu.memory_space<vmem>>
          %dma_wait3A_210 = arith.constant 0 : i32
          %dma_wait3A_211 = arith.constant 0 : i32
          %dma_wait3A_212 = tpu.memref_slice %arg10[%dma_wait3A_210, %dma_wait3A_211] : memref<10240x128xf32, #tpu.memory_space<vmem_shared>> -> memref<10240x128xf32, #tpu.memory_space<vmem_shared>>
          tpu.wait_indirect_dma semaphore(%run_scoped3A_202 : memref<!tpu.dma_semaphore, #tpu.memory_space<semaphore_mem>>) src(%arg9 : memref<64x128xf32, #tpu.memory_space<vmem>>) dst(%dma_wait3A_212 : memref<10240x128xf32, #tpu.memory_space<vmem_shared>>)
          tpu.yield
        }) : () -> ()
      }
      %scan3A_114 = arith.constant 28 : i32
    } else {
    }
    %eq3A_45 = arith.constant 1 : i32
    %eq3A_46 = arith.cmpi eq, %arg0, %eq3A_45 : i32
    %convert_element_type3A_47 = arith.extui %eq3A_46 : i1 to i32
    %cond3A_48 = arith.constant 0 : i32
    %cond3A_49 = arith.cmpi ne, %convert_element_type3A_47, %cond3A_48 : i32
    scf.if %cond3A_49 {
      %mul3A_60 = arith.constant 4864 : i32
      %mul3A_61 = arith.muli %arg1, %mul3A_60 : i32
      %add3A_62 = arith.constant 245760 : i32
      %add3A_63 = arith.addi %add3A_62, %mul3A_61 : i32
      %lt3A = arith.constant 15 : i32
      %lt3A_64 = arith.cmpi slt, %arg1, %lt3A : i32
      %convert_element_type3A_65 = arith.extui %lt3A_64 : i1 to i32
      %cond3A_66 = arith.constant 0 : i32
      %cond3A_67 = arith.cmpi ne, %convert_element_type3A_65, %cond3A_66 : i32
      scf.if %cond3A_67 {
        "tpu.region"() ({
          %run_scoped3A = tpu.sem_alloc : memref<!tpu.dma_semaphore, #tpu.memory_space<semaphore_mem>>
          %dma_start3A_98 = arith.constant 0 : i32
          %dma_start3A_99 = arith.constant 0 : i32
          %dma_start3A_100 = tpu.memref_slice %arg5[%dma_start3A_98, %dma_start3A_99] : memref<2x8192xi32, #tpu.memory_space<vmem>> -> memref<2x4864xi32, #tpu.memory_space<vmem>>
          %dma_start3A_101 = arith.constant 0 : i32
          %dma_start3A_102 = tpu.memref_slice %arg3[%dma_start3A_101, %add3A_63] : memref<2x320000xi32, #tpu.memory_space<hbm>> -> memref<2x4864xi32, #tpu.memory_space<hbm>>
          %dma_start3A_103 = arith.constant 0 : i32
          %dma_start3A_104 = arith.constant 0 : i32
          %dma_start3A_105 = tpu.memref_slice %arg5[%dma_start3A_103, %dma_start3A_104] : memref<2x8192xi32, #tpu.memory_space<vmem>> -> memref<2x4864xi32, #tpu.memory_space<vmem>>
          %dma_start3A_106 = arith.constant 0 : i32
          %dma_start3A_107 = tpu.memref_slice %arg3[%dma_start3A_106, %add3A_63] : memref<2x320000xi32, #tpu.memory_space<hbm>> -> memref<2x4864xi32, #tpu.memory_space<hbm>>
          tpu.enqueue_dma source(%dma_start3A_107 : memref<2x4864xi32, #tpu.memory_space<hbm>>) target(%dma_start3A_105 : memref<2x4864xi32, #tpu.memory_space<vmem>>) target_semaphore(%run_scoped3A : memref<!tpu.dma_semaphore, #tpu.memory_space<semaphore_mem>>)
          %dma_wait3A = arith.constant 0 : i32
          %dma_wait3A_108 = arith.constant 0 : i32
          %dma_wait3A_109 = tpu.memref_slice %arg5[%dma_wait3A, %dma_wait3A_108] : memref<2x8192xi32, #tpu.memory_space<vmem>> -> memref<2x4864xi32, #tpu.memory_space<vmem>>
          %dma_wait3A_110 = arith.constant 0 : i32
          %dma_wait3A_111 = tpu.memref_slice %arg3[%dma_wait3A_110, %add3A_63] : memref<2x320000xi32, #tpu.memory_space<hbm>> -> memref<2x4864xi32, #tpu.memory_space<hbm>>
          %dma_wait3A_112 = arith.constant 0 : i32
          %dma_wait3A_113 = arith.constant 0 : i32
          %dma_wait3A_114 = tpu.memref_slice %arg5[%dma_wait3A_112, %dma_wait3A_113] : memref<2x8192xi32, #tpu.memory_space<vmem>> -> memref<2x4864xi32, #tpu.memory_space<vmem>>
          %dma_wait3A_115 = arith.constant 0 : i32
          %dma_wait3A_116 = tpu.memref_slice %arg3[%dma_wait3A_115, %add3A_63] : memref<2x320000xi32, #tpu.memory_space<hbm>> -> memref<2x4864xi32, #tpu.memory_space<hbm>>
          tpu.wait_dma2 semaphore(%run_scoped3A : memref<!tpu.dma_semaphore, #tpu.memory_space<semaphore_mem>>) src(%dma_wait3A_116 : memref<2x4864xi32, #tpu.memory_space<hbm>>) dst(%dma_wait3A_114 : memref<2x4864xi32, #tpu.memory_space<vmem>>)
          tpu.yield
        }) : () -> ()
      } else {
      }
      %eq3A_68 = arith.constant 15 : i32
      %eq3A_69 = arith.cmpi eq, %arg1, %eq3A_68 : i32
      %convert_element_type3A_70 = arith.extui %eq3A_69 : i1 to i32
      %cond3A_71 = arith.constant 0 : i32
      %cond3A_72 = arith.cmpi ne, %convert_element_type3A_70, %cond3A_71 : i32
      scf.if %cond3A_72 {
        %sub3A = arith.constant 320000 : i32
        %sub3A_98 = arith.subi %sub3A, %add3A_63 : i32
        "tpu.region"() ({
          %run_scoped3A = tpu.sem_alloc : memref<!tpu.dma_semaphore, #tpu.memory_space<semaphore_mem>>
          %dma_start3A_108 = arith.constant 0 : i32
          %dma_start3A_109 = arith.constant 0 : i32
          %dma_start3A_110 = tpu.memref_slice %arg5[%dma_start3A_108, %dma_start3A_109] : memref<2x8192xi32, #tpu.memory_space<vmem>> -> memref<2x1280xi32, #tpu.memory_space<vmem>>
          %dma_start3A_111 = arith.constant 0 : i32
          %dma_start3A_112 = tpu.memref_slice %arg3[%dma_start3A_111, %add3A_63] : memref<2x320000xi32, #tpu.memory_space<hbm>> -> memref<2x1280xi32, #tpu.memory_space<hbm>>
          %dma_start3A_113 = arith.constant 0 : i32
          %dma_start3A_114 = arith.constant 0 : i32
          %dma_start3A_115 = tpu.memref_slice %arg5[%dma_start3A_113, %dma_start3A_114] : memref<2x8192xi32, #tpu.memory_space<vmem>> -> memref<2x1280xi32, #tpu.memory_space<vmem>>
          %dma_start3A_116 = arith.constant 0 : i32
          %dma_start3A_117 = tpu.memref_slice %arg3[%dma_start3A_116, %add3A_63] : memref<2x320000xi32, #tpu.memory_space<hbm>> -> memref<2x1280xi32, #tpu.memory_space<hbm>>
          tpu.enqueue_dma source(%dma_start3A_117 : memref<2x1280xi32, #tpu.memory_space<hbm>>) target(%dma_start3A_115 : memref<2x1280xi32, #tpu.memory_space<vmem>>) target_semaphore(%run_scoped3A : memref<!tpu.dma_semaphore, #tpu.memory_space<semaphore_mem>>)
          %dma_wait3A = arith.constant 0 : i32
          %dma_wait3A_118 = arith.constant 0 : i32
          %dma_wait3A_119 = tpu.memref_slice %arg5[%dma_wait3A, %dma_wait3A_118] : memref<2x8192xi32, #tpu.memory_space<vmem>> -> memref<2x1280xi32, #tpu.memory_space<vmem>>
          %dma_wait3A_120 = arith.constant 0 : i32
          %dma_wait3A_121 = tpu.memref_slice %arg3[%dma_wait3A_120, %add3A_63] : memref<2x320000xi32, #tpu.memory_space<hbm>> -> memref<2x1280xi32, #tpu.memory_space<hbm>>
          %dma_wait3A_122 = arith.constant 0 : i32
          %dma_wait3A_123 = arith.constant 0 : i32
          %dma_wait3A_124 = tpu.memref_slice %arg5[%dma_wait3A_122, %dma_wait3A_123] : memref<2x8192xi32, #tpu.memory_space<vmem>> -> memref<2x1280xi32, #tpu.memory_space<vmem>>
          %dma_wait3A_125 = arith.constant 0 : i32
          %dma_wait3A_126 = tpu.memref_slice %arg3[%dma_wait3A_125, %add3A_63] : memref<2x320000xi32, #tpu.memory_space<hbm>> -> memref<2x1280xi32, #tpu.memory_space<hbm>>
          tpu.wait_dma2 semaphore(%run_scoped3A : memref<!tpu.dma_semaphore, #tpu.memory_space<semaphore_mem>>) src(%dma_wait3A_126 : memref<2x1280xi32, #tpu.memory_space<hbm>>) dst(%dma_wait3A_124 : memref<2x1280xi32, #tpu.memory_space<vmem>>)
          tpu.yield
        }) : () -> ()
        %broadcast_in_dim3A_99 = arith.constant 0 : i32
        %broadcast_in_dim3A_100 = vector.broadcast %broadcast_in_dim3A_99 : i32 to vector<16xi32>
        %broadcast_in_dim3A_101 = arith.constant 10000 : i32
        %broadcast_in_dim3A_102 = vector.broadcast %broadcast_in_dim3A_101 : i32 to vector<16xi32>
        %scan3A_103 = arith.constant 0 : i32
        %scan3A_104 = arith.constant 224 : i32
        %scan3A_105 = arith.addi %scan3A_103, %scan3A_104 : i32
        %scan3A_106 = arith.constant 1 : i32
        scf.for %scan3A_108 = %scan3A_103 to %scan3A_105 step %scan3A_106  : i32 {
          %mul3A_109 = arith.constant 1 : i32
          %mul3A_110 = arith.muli %scan3A_108, %mul3A_109 : i32
          %add3A_111 = arith.constant 0 : i32
          %add3A_112 = arith.addi %add3A_111, %mul3A_110 : i32
          %mul3A_113 = arith.constant 16 : i32
          %mul3A_114 = arith.muli %add3A_112, %mul3A_113 : i32
          %add3A_115 = arith.constant 1280 : i32
          %add3A_116 = arith.addi %add3A_115, %mul3A_114 : i32
          %swap3A = arith.constant 0 : i32
          %swap3A_117 = arith.index_cast %swap3A : i32 to index
          %swap3A_118 = arith.index_cast %add3A_116 : i32 to index
          %swap3A_119 = tpu.vector_load %arg5[%swap3A_117, %swap3A_118] {strides = array<i32>} : memref<2x8192xi32, #tpu.memory_space<vmem>>, vector<16xi32>,
          tpu.vector_store %arg5[%swap3A_117, %swap3A_118], %broadcast_in_dim3A_100 {strides = array<i32>} : memref<2x8192xi32, #tpu.memory_space<vmem>>, vector<16xi32>,
          %mul3A_120 = arith.constant 16 : i32
          %mul3A_121 = arith.muli %add3A_112, %mul3A_120 : i32
          %add3A_122 = arith.constant 1280 : i32
          %add3A_123 = arith.addi %add3A_122, %mul3A_121 : i32
          %swap3A_124 = arith.constant 1 : i32
          %swap3A_125 = arith.index_cast %swap3A_124 : i32 to index
          %swap3A_126 = arith.index_cast %add3A_123 : i32 to index
          %swap3A_127 = tpu.vector_load %arg5[%swap3A_125, %swap3A_126] {strides = array<i32>} : memref<2x8192xi32, #tpu.memory_space<vmem>>, vector<16xi32>,
          tpu.vector_store %arg5[%swap3A_125, %swap3A_126], %broadcast_in_dim3A_102 {strides = array<i32>} : memref<2x8192xi32, #tpu.memory_space<vmem>>, vector<16xi32>,
        }
        %scan3A_107 = arith.constant 224 : i32
      } else {
      }
      %dma_start3A = arith.constant 0 : i32
      %dma_start3A_73 = arith.constant 0 : i32
      %dma_start3A_74 = tpu.memref_slice %arg5[%dma_start3A, %dma_start3A_73] : memref<2x8192xi32, #tpu.memory_space<vmem>> -> memref<1x64xi32, #tpu.memory_space<vmem>>
      %dma_start3A_75 = tpu.memref_squeeze %dma_start3A_74 : memref<1x64xi32, #tpu.memory_space<vmem>> -> memref<64xi32, #tpu.memory_space<vmem>>
      %dma_start3A_76 = arith.constant 0 : i32
      %dma_start3A_77 = arith.constant 0 : i32
      %dma_start3A_78 = tpu.memref_slice %arg2[%dma_start3A_76, %dma_start3A_77] : memref<10000x128xf32, #tpu.memory_space<hbm>> -> memref<10000x128xf32, #tpu.memory_space<hbm>>
      tpu.enqueue_indirect_dma source(%dma_start3A_78 : memref<10000x128xf32, #tpu.memory_space<hbm>>) target(%arg6 : memref<64x128xf32, #tpu.memory_space<vmem>>) offsets(%dma_start3A_75 : memref<64xi32, #tpu.memory_space<vmem>>) semaphore(%arg11 : memref<!tpu.dma_semaphore, #tpu.memory_space<semaphore_mem>>)
      %dma_start3A_79 = arith.constant 0 : i32
      %dma_start3A_80 = arith.constant 64 : i32
      %dma_start3A_81 = tpu.memref_slice %arg5[%dma_start3A_79, %dma_start3A_80] : memref<2x8192xi32, #tpu.memory_space<vmem>> -> memref<1x64xi32, #tpu.memory_space<vmem>>
      %dma_start3A_82 = tpu.memref_squeeze %dma_start3A_81 : memref<1x64xi32, #tpu.memory_space<vmem>> -> memref<64xi32, #tpu.memory_space<vmem>>
      %dma_start3A_83 = arith.constant 0 : i32
      %dma_start3A_84 = arith.constant 0 : i32
      %dma_start3A_85 = tpu.memref_slice %arg2[%dma_start3A_83, %dma_start3A_84] : memref<10000x128xf32, #tpu.memory_space<hbm>> -> memref<10000x128xf32, #tpu.memory_space<hbm>>
      tpu.enqueue_indirect_dma source(%dma_start3A_85 : memref<10000x128xf32, #tpu.memory_space<hbm>>) target(%arg7 : memref<64x128xf32, #tpu.memory_space<vmem>>) offsets(%dma_start3A_82 : memref<64xi32, #tpu.memory_space<vmem>>) semaphore(%arg12 : memref<!tpu.dma_semaphore, #tpu.memory_space<semaphore_mem>>)
      %dma_start3A_86 = arith.constant 0 : i32
      %dma_start3A_87 = arith.constant 128 : i32
      %dma_start3A_88 = tpu.memref_slice %arg5[%dma_start3A_86, %dma_start3A_87] : memref<2x8192xi32, #tpu.memory_space<vmem>> -> memref<1x64xi32, #tpu.memory_space<vmem>>
      %dma_start3A_89 = tpu.memref_squeeze %dma_start3A_88 : memref<1x64xi32, #tpu.memory_space<vmem>> -> memref<64xi32, #tpu.memory_space<vmem>>
      %dma_start3A_90 = arith.constant 0 : i32
      %dma_start3A_91 = arith.constant 0 : i32
      %dma_start3A_92 = tpu.memref_slice %arg2[%dma_start3A_90, %dma_start3A_91] : memref<10000x128xf32, #tpu.memory_space<hbm>> -> memref<10000x128xf32, #tpu.memory_space<hbm>>
      tpu.enqueue_indirect_dma source(%dma_start3A_92 : memref<10000x128xf32, #tpu.memory_space<hbm>>) target(%arg8 : memref<64x128xf32, #tpu.memory_space<vmem>>) offsets(%dma_start3A_89 : memref<64xi32, #tpu.memory_space<vmem>>) semaphore(%arg13 : memref<!tpu.dma_semaphore, #tpu.memory_space<semaphore_mem>>)
      %scan3A_93 = arith.constant 0 : i32
      %scan3A_94 = arith.constant 19 : i32
      %scan3A_95 = arith.addi %scan3A_93, %scan3A_94 : i32
      %scan3A_96 = arith.constant 1 : i32
      scf.for %scan3A_98 = %scan3A_93 to %scan3A_95 step %scan3A_96  : i32 {
        %mul3A_99 = arith.constant 1 : i32
        %mul3A_100 = arith.muli %scan3A_98, %mul3A_99 : i32
        %add3A_101 = arith.constant 0 : i32
        %add3A_102 = arith.addi %add3A_101, %mul3A_100 : i32
        %mul3A_103 = arith.constant 4 : i32
        %mul3A_104 = arith.muli %mul3A_103, %add3A_102 : i32
        %add3A_105 = arith.constant 0 : i32
        %add3A_106 = arith.addi %mul3A_104, %add3A_105 : i32
        %dma_wait3A = arith.constant 0 : i32
        %dma_wait3A_107 = arith.constant 0 : i32
        %dma_wait3A_108 = tpu.memref_slice %arg5[%dma_wait3A, %dma_wait3A_107] : memref<2x8192xi32, #tpu.memory_space<vmem>> -> memref<1x64xi32, #tpu.memory_space<vmem>>
        %dma_wait3A_109 = tpu.memref_squeeze %dma_wait3A_108 : memref<1x64xi32, #tpu.memory_space<vmem>> -> memref<64xi32, #tpu.memory_space<vmem>>
        %dma_wait3A_110 = arith.constant 0 : i32
        %dma_wait3A_111 = arith.constant 0 : i32
        %dma_wait3A_112 = tpu.memref_slice %arg2[%dma_wait3A_110, %dma_wait3A_111] : memref<10000x128xf32, #tpu.memory_space<hbm>> -> memref<10000x128xf32, #tpu.memory_space<hbm>>
        tpu.wait_indirect_dma semaphore(%arg11 : memref<!tpu.dma_semaphore, #tpu.memory_space<semaphore_mem>>) src(%dma_wait3A_112 : memref<10000x128xf32, #tpu.memory_space<hbm>>) dst(%arg6 : memref<64x128xf32, #tpu.memory_space<vmem>>)
        %add3A_113 = arith.constant 4 : i32
        %add3A_114 = arith.addi %add3A_106, %add3A_113 : i32
        %sub3A = arith.constant 1 : i32
        %sub3A_115 = arith.subi %add3A_114, %sub3A : i32
        %lt3A_116 = arith.constant 76 : i32
        %lt3A_117 = arith.cmpi slt, %sub3A_115, %lt3A_116 : i32
        %convert_element_type3A_118 = arith.extui %lt3A_117 : i1 to i32
        %cond3A_119 = arith.constant 0 : i32
        %cond3A_120 = arith.cmpi ne, %convert_element_type3A_118, %cond3A_119 : i32
        scf.if %cond3A_120 {
          %add3A_186 = arith.constant 4 : i32
          %add3A_187 = arith.addi %add3A_106, %add3A_186 : i32
          %sub3A_188 = arith.constant 1 : i32
          %sub3A_189 = arith.subi %add3A_187, %sub3A_188 : i32
          %mul3A_190 = arith.constant 64 : i32
          %mul3A_191 = arith.muli %sub3A_189, %mul3A_190 : i32
          %dma_start3A_192 = arith.constant 0 : i32
          %dma_start3A_193 = tpu.memref_slice %arg5[%dma_start3A_192, %mul3A_191] : memref<2x8192xi32, #tpu.memory_space<vmem>> -> memref<1x64xi32, #tpu.memory_space<vmem>>
          %dma_start3A_194 = tpu.memref_squeeze %dma_start3A_193 : memref<1x64xi32, #tpu.memory_space<vmem>> -> memref<64xi32, #tpu.memory_space<vmem>>
          %dma_start3A_195 = arith.constant 0 : i32
          %dma_start3A_196 = arith.constant 0 : i32
          %dma_start3A_197 = tpu.memref_slice %arg2[%dma_start3A_195, %dma_start3A_196] : memref<10000x128xf32, #tpu.memory_space<hbm>> -> memref<10000x128xf32, #tpu.memory_space<hbm>>
          tpu.enqueue_indirect_dma source(%dma_start3A_197 : memref<10000x128xf32, #tpu.memory_space<hbm>>) target(%arg9 : memref<64x128xf32, #tpu.memory_space<vmem>>) offsets(%dma_start3A_194 : memref<64xi32, #tpu.memory_space<vmem>>) semaphore(%arg14 : memref<!tpu.dma_semaphore, #tpu.memory_space<semaphore_mem>>)
        } else {
        }
        %mul3A_121 = arith.constant 64 : i32
        %mul3A_122 = arith.muli %add3A_106, %mul3A_121 : i32
        %run_scoped3A = arith.constant 1 : i32
        "tpu.region"() ({
          %run_scoped3A_186 = tpu.sem_alloc : memref<!tpu.dma_semaphore, #tpu.memory_space<semaphore_mem>>
          %dma_start3A_187 = tpu.memref_slice %arg5[%run_scoped3A, %mul3A_122] : memref<2x8192xi32, #tpu.memory_space<vmem>> -> memref<1x64xi32, #tpu.memory_space<vmem>>
          %dma_start3A_188 = tpu.memref_squeeze %dma_start3A_187 : memref<1x64xi32, #tpu.memory_space<vmem>> -> memref<64xi32, #tpu.memory_space<vmem>>
          %dma_start3A_189 = arith.constant 0 : i32
          %dma_start3A_190 = arith.constant 0 : i32
          %dma_start3A_191 = tpu.memref_slice %arg10[%dma_start3A_189, %dma_start3A_190] : memref<10240x128xf32, #tpu.memory_space<vmem_shared>> -> memref<10240x128xf32, #tpu.memory_space<vmem_shared>>
          tpu.enqueue_indirect_dma source(%arg6 : memref<64x128xf32, #tpu.memory_space<vmem>>) target(%dma_start3A_191 : memref<10240x128xf32, #tpu.memory_space<vmem_shared>>) offsets(%dma_start3A_188 : memref<64xi32, #tpu.memory_space<vmem>>) semaphore(%run_scoped3A_186 : memref<!tpu.dma_semaphore, #tpu.memory_space<semaphore_mem>>) {add = true}
          %dma_wait3A_192 = tpu.memref_slice %arg5[%run_scoped3A, %mul3A_122] : memref<2x8192xi32, #tpu.memory_space<vmem>> -> memref<1x64xi32, #tpu.memory_space<vmem>>
          %dma_wait3A_193 = tpu.memref_squeeze %dma_wait3A_192 : memref<1x64xi32, #tpu.memory_space<vmem>> -> memref<64xi32, #tpu.memory_space<vmem>>
          %dma_wait3A_194 = arith.constant 0 : i32
          %dma_wait3A_195 = arith.constant 0 : i32
          %dma_wait3A_196 = tpu.memref_slice %arg10[%dma_wait3A_194, %dma_wait3A_195] : memref<10240x128xf32, #tpu.memory_space<vmem_shared>> -> memref<10240x128xf32, #tpu.memory_space<vmem_shared>>
          tpu.wait_indirect_dma semaphore(%run_scoped3A_186 : memref<!tpu.dma_semaphore, #tpu.memory_space<semaphore_mem>>) src(%arg6 : memref<64x128xf32, #tpu.memory_space<vmem>>) dst(%dma_wait3A_196 : memref<10240x128xf32, #tpu.memory_space<vmem_shared>>)
          tpu.yield
        }) : () -> ()
        %add3A_123 = arith.constant 1 : i32
        %add3A_124 = arith.addi %mul3A_104, %add3A_123 : i32
        %dma_wait3A_125 = arith.constant 0 : i32
        %dma_wait3A_126 = arith.constant 0 : i32
        %dma_wait3A_127 = tpu.memref_slice %arg5[%dma_wait3A_125, %dma_wait3A_126] : memref<2x8192xi32, #tpu.memory_space<vmem>> -> memref<1x64xi32, #tpu.memory_space<vmem>>
        %dma_wait3A_128 = tpu.memref_squeeze %dma_wait3A_127 : memref<1x64xi32, #tpu.memory_space<vmem>> -> memref<64xi32, #tpu.memory_space<vmem>>
        %dma_wait3A_129 = arith.constant 0 : i32
        %dma_wait3A_130 = arith.constant 0 : i32
        %dma_wait3A_131 = tpu.memref_slice %arg2[%dma_wait3A_129, %dma_wait3A_130] : memref<10000x128xf32, #tpu.memory_space<hbm>> -> memref<10000x128xf32, #tpu.memory_space<hbm>>
        tpu.wait_indirect_dma semaphore(%arg12 : memref<!tpu.dma_semaphore, #tpu.memory_space<semaphore_mem>>) src(%dma_wait3A_131 : memref<10000x128xf32, #tpu.memory_space<hbm>>) dst(%arg7 : memref<64x128xf32, #tpu.memory_space<vmem>>)
        %add3A_132 = arith.constant 4 : i32
        %add3A_133 = arith.addi %add3A_124, %add3A_132 : i32
        %sub3A_134 = arith.constant 1 : i32
        %sub3A_135 = arith.subi %add3A_133, %sub3A_134 : i32
        %lt3A_136 = arith.constant 76 : i32
        %lt3A_137 = arith.cmpi slt, %sub3A_135, %lt3A_136 : i32
        %convert_element_type3A_138 = arith.extui %lt3A_137 : i1 to i32
        %cond3A_139 = arith.constant 0 : i32
        %cond3A_140 = arith.cmpi ne, %convert_element_type3A_138, %cond3A_139 : i32
        scf.if %cond3A_140 {
          %add3A_186 = arith.constant 4 : i32
          %add3A_187 = arith.addi %add3A_124, %add3A_186 : i32
          %sub3A_188 = arith.constant 1 : i32
          %sub3A_189 = arith.subi %add3A_187, %sub3A_188 : i32
          %mul3A_190 = arith.constant 64 : i32
          %mul3A_191 = arith.muli %sub3A_189, %mul3A_190 : i32
          %dma_start3A_192 = arith.constant 0 : i32
          %dma_start3A_193 = tpu.memref_slice %arg5[%dma_start3A_192, %mul3A_191] : memref<2x8192xi32, #tpu.memory_space<vmem>> -> memref<1x64xi32, #tpu.memory_space<vmem>>
          %dma_start3A_194 = tpu.memref_squeeze %dma_start3A_193 : memref<1x64xi32, #tpu.memory_space<vmem>> -> memref<64xi32, #tpu.memory_space<vmem>>
          %dma_start3A_195 = arith.constant 0 : i32
          %dma_start3A_196 = arith.constant 0 : i32
          %dma_start3A_197 = tpu.memref_slice %arg2[%dma_start3A_195, %dma_start3A_196] : memref<10000x128xf32, #tpu.memory_space<hbm>> -> memref<10000x128xf32, #tpu.memory_space<hbm>>
          tpu.enqueue_indirect_dma source(%dma_start3A_197 : memref<10000x128xf32, #tpu.memory_space<hbm>>) target(%arg6 : memref<64x128xf32, #tpu.memory_space<vmem>>) offsets(%dma_start3A_194 : memref<64xi32, #tpu.memory_space<vmem>>) semaphore(%arg11 : memref<!tpu.dma_semaphore, #tpu.memory_space<semaphore_mem>>)
        } else {
        }
        %mul3A_141 = arith.constant 64 : i32
        %mul3A_142 = arith.muli %add3A_124, %mul3A_141 : i32
        %run_scoped3A_143 = arith.constant 1 : i32
        "tpu.region"() ({
          %run_scoped3A_186 = tpu.sem_alloc : memref<!tpu.dma_semaphore, #tpu.memory_space<semaphore_mem>>
          %dma_start3A_187 = tpu.memref_slice %arg5[%run_scoped3A_143, %mul3A_142] : memref<2x8192xi32, #tpu.memory_space<vmem>> -> memref<1x64xi32, #tpu.memory_space<vmem>>
          %dma_start3A_188 = tpu.memref_squeeze %dma_start3A_187 : memref<1x64xi32, #tpu.memory_space<vmem>> -> memref<64xi32, #tpu.memory_space<vmem>>
          %dma_start3A_189 = arith.constant 0 : i32
          %dma_start3A_190 = arith.constant 0 : i32
          %dma_start3A_191 = tpu.memref_slice %arg10[%dma_start3A_189, %dma_start3A_190] : memref<10240x128xf32, #tpu.memory_space<vmem_shared>> -> memref<10240x128xf32, #tpu.memory_space<vmem_shared>>
          tpu.enqueue_indirect_dma source(%arg7 : memref<64x128xf32, #tpu.memory_space<vmem>>) target(%dma_start3A_191 : memref<10240x128xf32, #tpu.memory_space<vmem_shared>>) offsets(%dma_start3A_188 : memref<64xi32, #tpu.memory_space<vmem>>) semaphore(%run_scoped3A_186 : memref<!tpu.dma_semaphore, #tpu.memory_space<semaphore_mem>>) {add = true}
          %dma_wait3A_192 = tpu.memref_slice %arg5[%run_scoped3A_143, %mul3A_142] : memref<2x8192xi32, #tpu.memory_space<vmem>> -> memref<1x64xi32, #tpu.memory_space<vmem>>
          %dma_wait3A_193 = tpu.memref_squeeze %dma_wait3A_192 : memref<1x64xi32, #tpu.memory_space<vmem>> -> memref<64xi32, #tpu.memory_space<vmem>>
          %dma_wait3A_194 = arith.constant 0 : i32
          %dma_wait3A_195 = arith.constant 0 : i32
          %dma_wait3A_196 = tpu.memref_slice %arg10[%dma_wait3A_194, %dma_wait3A_195] : memref<10240x128xf32, #tpu.memory_space<vmem_shared>> -> memref<10240x128xf32, #tpu.memory_space<vmem_shared>>
          tpu.wait_indirect_dma semaphore(%run_scoped3A_186 : memref<!tpu.dma_semaphore, #tpu.memory_space<semaphore_mem>>) src(%arg7 : memref<64x128xf32, #tpu.memory_space<vmem>>) dst(%dma_wait3A_196 : memref<10240x128xf32, #tpu.memory_space<vmem_shared>>)
          tpu.yield
        }) : () -> ()
        %add3A_144 = arith.constant 2 : i32
        %add3A_145 = arith.addi %mul3A_104, %add3A_144 : i32
        %dma_wait3A_146 = arith.constant 0 : i32
        %dma_wait3A_147 = arith.constant 0 : i32
        %dma_wait3A_148 = tpu.memref_slice %arg5[%dma_wait3A_146, %dma_wait3A_147] : memref<2x8192xi32, #tpu.memory_space<vmem>> -> memref<1x64xi32, #tpu.memory_space<vmem>>
        %dma_wait3A_149 = tpu.memref_squeeze %dma_wait3A_148 : memref<1x64xi32, #tpu.memory_space<vmem>> -> memref<64xi32, #tpu.memory_space<vmem>>
        %dma_wait3A_150 = arith.constant 0 : i32
        %dma_wait3A_151 = arith.constant 0 : i32
        %dma_wait3A_152 = tpu.memref_slice %arg2[%dma_wait3A_150, %dma_wait3A_151] : memref<10000x128xf32, #tpu.memory_space<hbm>> -> memref<10000x128xf32, #tpu.memory_space<hbm>>
        tpu.wait_indirect_dma semaphore(%arg13 : memref<!tpu.dma_semaphore, #tpu.memory_space<semaphore_mem>>) src(%dma_wait3A_152 : memref<10000x128xf32, #tpu.memory_space<hbm>>) dst(%arg8 : memref<64x128xf32, #tpu.memory_space<vmem>>)
        %add3A_153 = arith.constant 4 : i32
        %add3A_154 = arith.addi %add3A_145, %add3A_153 : i32
        %sub3A_155 = arith.constant 1 : i32
        %sub3A_156 = arith.subi %add3A_154, %sub3A_155 : i32
        %lt3A_157 = arith.constant 76 : i32
        %lt3A_158 = arith.cmpi slt, %sub3A_156, %lt3A_157 : i32
        %convert_element_type3A_159 = arith.extui %lt3A_158 : i1 to i32
        %cond3A_160 = arith.constant 0 : i32
        %cond3A_161 = arith.cmpi ne, %convert_element_type3A_159, %cond3A_160 : i32
        scf.if %cond3A_161 {
          %add3A_186 = arith.constant 4 : i32
          %add3A_187 = arith.addi %add3A_145, %add3A_186 : i32
          %sub3A_188 = arith.constant 1 : i32
          %sub3A_189 = arith.subi %add3A_187, %sub3A_188 : i32
          %mul3A_190 = arith.constant 64 : i32
          %mul3A_191 = arith.muli %sub3A_189, %mul3A_190 : i32
          %dma_start3A_192 = arith.constant 0 : i32
          %dma_start3A_193 = tpu.memref_slice %arg5[%dma_start3A_192, %mul3A_191] : memref<2x8192xi32, #tpu.memory_space<vmem>> -> memref<1x64xi32, #tpu.memory_space<vmem>>
          %dma_start3A_194 = tpu.memref_squeeze %dma_start3A_193 : memref<1x64xi32, #tpu.memory_space<vmem>> -> memref<64xi32, #tpu.memory_space<vmem>>
          %dma_start3A_195 = arith.constant 0 : i32
          %dma_start3A_196 = arith.constant 0 : i32
          %dma_start3A_197 = tpu.memref_slice %arg2[%dma_start3A_195, %dma_start3A_196] : memref<10000x128xf32, #tpu.memory_space<hbm>> -> memref<10000x128xf32, #tpu.memory_space<hbm>>
          tpu.enqueue_indirect_dma source(%dma_start3A_197 : memref<10000x128xf32, #tpu.memory_space<hbm>>) target(%arg7 : memref<64x128xf32, #tpu.memory_space<vmem>>) offsets(%dma_start3A_194 : memref<64xi32, #tpu.memory_space<vmem>>) semaphore(%arg12 : memref<!tpu.dma_semaphore, #tpu.memory_space<semaphore_mem>>)
        } else {
        }
        %mul3A_162 = arith.constant 64 : i32
        %mul3A_163 = arith.muli %add3A_145, %mul3A_162 : i32
        %run_scoped3A_164 = arith.constant 1 : i32
        "tpu.region"() ({
          %run_scoped3A_186 = tpu.sem_alloc : memref<!tpu.dma_semaphore, #tpu.memory_space<semaphore_mem>>
          %dma_start3A_187 = tpu.memref_slice %arg5[%run_scoped3A_164, %mul3A_163] : memref<2x8192xi32, #tpu.memory_space<vmem>> -> memref<1x64xi32, #tpu.memory_space<vmem>>
          %dma_start3A_188 = tpu.memref_squeeze %dma_start3A_187 : memref<1x64xi32, #tpu.memory_space<vmem>> -> memref<64xi32, #tpu.memory_space<vmem>>
          %dma_start3A_189 = arith.constant 0 : i32
          %dma_start3A_190 = arith.constant 0 : i32
          %dma_start3A_191 = tpu.memref_slice %arg10[%dma_start3A_189, %dma_start3A_190] : memref<10240x128xf32, #tpu.memory_space<vmem_shared>> -> memref<10240x128xf32, #tpu.memory_space<vmem_shared>>
          tpu.enqueue_indirect_dma source(%arg8 : memref<64x128xf32, #tpu.memory_space<vmem>>) target(%dma_start3A_191 : memref<10240x128xf32, #tpu.memory_space<vmem_shared>>) offsets(%dma_start3A_188 : memref<64xi32, #tpu.memory_space<vmem>>) semaphore(%run_scoped3A_186 : memref<!tpu.dma_semaphore, #tpu.memory_space<semaphore_mem>>) {add = true}
          %dma_wait3A_192 = tpu.memref_slice %arg5[%run_scoped3A_164, %mul3A_163] : memref<2x8192xi32, #tpu.memory_space<vmem>> -> memref<1x64xi32, #tpu.memory_space<vmem>>
          %dma_wait3A_193 = tpu.memref_squeeze %dma_wait3A_192 : memref<1x64xi32, #tpu.memory_space<vmem>> -> memref<64xi32, #tpu.memory_space<vmem>>
          %dma_wait3A_194 = arith.constant 0 : i32
          %dma_wait3A_195 = arith.constant 0 : i32
          %dma_wait3A_196 = tpu.memref_slice %arg10[%dma_wait3A_194, %dma_wait3A_195] : memref<10240x128xf32, #tpu.memory_space<vmem_shared>> -> memref<10240x128xf32, #tpu.memory_space<vmem_shared>>
          tpu.wait_indirect_dma semaphore(%run_scoped3A_186 : memref<!tpu.dma_semaphore, #tpu.memory_space<semaphore_mem>>) src(%arg8 : memref<64x128xf32, #tpu.memory_space<vmem>>) dst(%dma_wait3A_196 : memref<10240x128xf32, #tpu.memory_space<vmem_shared>>)
          tpu.yield
        }) : () -> ()
        %add3A_165 = arith.constant 3 : i32
        %add3A_166 = arith.addi %mul3A_104, %add3A_165 : i32
        %dma_wait3A_167 = arith.constant 0 : i32
        %dma_wait3A_168 = arith.constant 0 : i32
        %dma_wait3A_169 = tpu.memref_slice %arg5[%dma_wait3A_167, %dma_wait3A_168] : memref<2x8192xi32, #tpu.memory_space<vmem>> -> memref<1x64xi32, #tpu.memory_space<vmem>>
        %dma_wait3A_170 = tpu.memref_squeeze %dma_wait3A_169 : memref<1x64xi32, #tpu.memory_space<vmem>> -> memref<64xi32, #tpu.memory_space<vmem>>
        %dma_wait3A_171 = arith.constant 0 : i32
        %dma_wait3A_172 = arith.constant 0 : i32
        %dma_wait3A_173 = tpu.memref_slice %arg2[%dma_wait3A_171, %dma_wait3A_172] : memref<10000x128xf32, #tpu.memory_space<hbm>> -> memref<10000x128xf32, #tpu.memory_space<hbm>>
        tpu.wait_indirect_dma semaphore(%arg14 : memref<!tpu.dma_semaphore, #tpu.memory_space<semaphore_mem>>) src(%dma_wait3A_173 : memref<10000x128xf32, #tpu.memory_space<hbm>>) dst(%arg9 : memref<64x128xf32, #tpu.memory_space<vmem>>)
        %add3A_174 = arith.constant 4 : i32
        %add3A_175 = arith.addi %add3A_166, %add3A_174 : i32
        %sub3A_176 = arith.constant 1 : i32
        %sub3A_177 = arith.subi %add3A_175, %sub3A_176 : i32
        %lt3A_178 = arith.constant 76 : i32
        %lt3A_179 = arith.cmpi slt, %sub3A_177, %lt3A_178 : i32
        %convert_element_type3A_180 = arith.extui %lt3A_179 : i1 to i32
        %cond3A_181 = arith.constant 0 : i32
        %cond3A_182 = arith.cmpi ne, %convert_element_type3A_180, %cond3A_181 : i32
        scf.if %cond3A_182 {
          %add3A_186 = arith.constant 4 : i32
          %add3A_187 = arith.addi %add3A_166, %add3A_186 : i32
          %sub3A_188 = arith.constant 1 : i32
          %sub3A_189 = arith.subi %add3A_187, %sub3A_188 : i32
          %mul3A_190 = arith.constant 64 : i32
          %mul3A_191 = arith.muli %sub3A_189, %mul3A_190 : i32
          %dma_start3A_192 = arith.constant 0 : i32
          %dma_start3A_193 = tpu.memref_slice %arg5[%dma_start3A_192, %mul3A_191] : memref<2x8192xi32, #tpu.memory_space<vmem>> -> memref<1x64xi32, #tpu.memory_space<vmem>>
          %dma_start3A_194 = tpu.memref_squeeze %dma_start3A_193 : memref<1x64xi32, #tpu.memory_space<vmem>> -> memref<64xi32, #tpu.memory_space<vmem>>
          %dma_start3A_195 = arith.constant 0 : i32
          %dma_start3A_196 = arith.constant 0 : i32
          %dma_start3A_197 = tpu.memref_slice %arg2[%dma_start3A_195, %dma_start3A_196] : memref<10000x128xf32, #tpu.memory_space<hbm>> -> memref<10000x128xf32, #tpu.memory_space<hbm>>
          tpu.enqueue_indirect_dma source(%dma_start3A_197 : memref<10000x128xf32, #tpu.memory_space<hbm>>) target(%arg8 : memref<64x128xf32, #tpu.memory_space<vmem>>) offsets(%dma_start3A_194 : memref<64xi32, #tpu.memory_space<vmem>>) semaphore(%arg13 : memref<!tpu.dma_semaphore, #tpu.memory_space<semaphore_mem>>)
        } else {
        }
        %mul3A_183 = arith.constant 64 : i32
        %mul3A_184 = arith.muli %add3A_166, %mul3A_183 : i32
        %run_scoped3A_185 = arith.constant 1 : i32
        "tpu.region"() ({
          %run_scoped3A_186 = tpu.sem_alloc : memref<!tpu.dma_semaphore, #tpu.memory_space<semaphore_mem>>
          %dma_start3A_187 = tpu.memref_slice %arg5[%run_scoped3A_185, %mul3A_184] : memref<2x8192xi32, #tpu.memory_space<vmem>> -> memref<1x64xi32, #tpu.memory_space<vmem>>
          %dma_start3A_188 = tpu.memref_squeeze %dma_start3A_187 : memref<1x64xi32, #tpu.memory_space<vmem>> -> memref<64xi32, #tpu.memory_space<vmem>>
          %dma_start3A_189 = arith.constant 0 : i32
          %dma_start3A_190 = arith.constant 0 : i32
          %dma_start3A_191 = tpu.memref_slice %arg10[%dma_start3A_189, %dma_start3A_190] : memref<10240x128xf32, #tpu.memory_space<vmem_shared>> -> memref<10240x128xf32, #tpu.memory_space<vmem_shared>>
          tpu.enqueue_indirect_dma source(%arg9 : memref<64x128xf32, #tpu.memory_space<vmem>>) target(%dma_start3A_191 : memref<10240x128xf32, #tpu.memory_space<vmem_shared>>) offsets(%dma_start3A_188 : memref<64xi32, #tpu.memory_space<vmem>>) semaphore(%run_scoped3A_186 : memref<!tpu.dma_semaphore, #tpu.memory_space<semaphore_mem>>) {add = true}
          %dma_wait3A_192 = tpu.memref_slice %arg5[%run_scoped3A_185, %mul3A_184] : memref<2x8192xi32, #tpu.memory_space<vmem>> -> memref<1x64xi32, #tpu.memory_space<vmem>>
          %dma_wait3A_193 = tpu.memref_squeeze %dma_wait3A_192 : memref<1x64xi32, #tpu.memory_space<vmem>> -> memref<64xi32, #tpu.memory_space<vmem>>
          %dma_wait3A_194 = arith.constant 0 : i32
          %dma_wait3A_195 = arith.constant 0 : i32
          %dma_wait3A_196 = tpu.memref_slice %arg10[%dma_wait3A_194, %dma_wait3A_195] : memref<10240x128xf32, #tpu.memory_space<vmem_shared>> -> memref<10240x128xf32, #tpu.memory_space<vmem_shared>>
          tpu.wait_indirect_dma semaphore(%run_scoped3A_186 : memref<!tpu.dma_semaphore, #tpu.memory_space<semaphore_mem>>) src(%arg9 : memref<64x128xf32, #tpu.memory_space<vmem>>) dst(%dma_wait3A_196 : memref<10240x128xf32, #tpu.memory_space<vmem_shared>>)
          tpu.yield
        }) : () -> ()
      }
      %scan3A_97 = arith.constant 19 : i32
    } else {
    }
    %barrier3A_50 = arith.constant 0 : index
    tpu.barrier barrier_id(%barrier3A_50)
    %mul3A_51 = arith.constant 624 : i32
    %mul3A_52 = arith.muli %arg1, %mul3A_51 : i32
    %mul3A_53 = arith.constant 624 : i32
    %mul3A_54 = arith.muli %arg1, %mul3A_53 : i32
    "tpu.region"() ({
      %run_scoped3A = tpu.sem_alloc : memref<!tpu.dma_semaphore, #tpu.memory_space<semaphore_mem>>
      %dma_start3A = arith.constant 0 : i32
      %dma_start3A_60 = tpu.memref_slice %arg4[%arg0, %mul3A_54, %dma_start3A] : memref<2x10000x128xf32, #tpu.memory_space<hbm>> -> memref<1x624x128xf32, #tpu.memory_space<hbm>>
      %dma_start3A_61 = tpu.memref_squeeze %dma_start3A_60 : memref<1x624x128xf32, #tpu.memory_space<hbm>> -> memref<624x128xf32, #tpu.memory_space<hbm>>
      %dma_start3A_62 = arith.constant 0 : i32
      %dma_start3A_63 = tpu.memref_slice %arg10[%mul3A_52, %dma_start3A_62] : memref<10240x128xf32, #tpu.memory_space<vmem_shared>> -> memref<624x128xf32, #tpu.memory_space<vmem_shared>>
      tpu.enqueue_dma source(%dma_start3A_63 : memref<624x128xf32, #tpu.memory_space<vmem_shared>>) target(%dma_start3A_61 : memref<624x128xf32, #tpu.memory_space<hbm>>) target_semaphore(%run_scoped3A : memref<!tpu.dma_semaphore, #tpu.memory_space<semaphore_mem>>)
      %dma_wait3A = arith.constant 0 : i32
      %dma_wait3A_64 = tpu.memref_slice %arg4[%arg0, %mul3A_54, %dma_wait3A] : memref<2x10000x128xf32, #tpu.memory_space<hbm>> -> memref<1x624x128xf32, #tpu.memory_space<hbm>>
      %dma_wait3A_65 = tpu.memref_squeeze %dma_wait3A_64 : memref<1x624x128xf32, #tpu.memory_space<hbm>> -> memref<624x128xf32, #tpu.memory_space<hbm>>
      %dma_wait3A_66 = arith.constant 0 : i32
      %dma_wait3A_67 = tpu.memref_slice %arg10[%mul3A_52, %dma_wait3A_66] : memref<10240x128xf32, #tpu.memory_space<vmem_shared>> -> memref<624x128xf32, #tpu.memory_space<vmem_shared>>
      tpu.wait_dma2 semaphore(%run_scoped3A : memref<!tpu.dma_semaphore, #tpu.memory_space<semaphore_mem>>) src(%dma_wait3A_67 : memref<624x128xf32, #tpu.memory_space<vmem_shared>>) dst(%dma_wait3A_65 : memref<624x128xf32, #tpu.memory_space<hbm>>)
      tpu.yield
    }) : () -> ()
    %eq3A_55 = arith.constant 0 : i32
    %eq3A_56 = arith.cmpi eq, %arg1, %eq3A_55 : i32
    %convert_element_type3A_57 = arith.extui %eq3A_56 : i1 to i32
    %cond3A_58 = arith.constant 0 : i32
    %cond3A_59 = arith.cmpi ne, %convert_element_type3A_57, %cond3A_58 : i32
    scf.if %cond3A_59 {
      "tpu.region"() ({
        %run_scoped3A = tpu.sem_alloc : memref<!tpu.dma_semaphore, #tpu.memory_space<semaphore_mem>>
        %dma_start3A = arith.constant 9984 : i32
        %dma_start3A_60 = arith.constant 0 : i32
        %dma_start3A_61 = tpu.memref_slice %arg4[%arg0, %dma_start3A, %dma_start3A_60] : memref<2x10000x128xf32, #tpu.memory_space<hbm>> -> memref<1x16x128xf32, #tpu.memory_space<hbm>>
        %dma_start3A_62 = tpu.memref_squeeze %dma_start3A_61 : memref<1x16x128xf32, #tpu.memory_space<hbm>> -> memref<16x128xf32, #tpu.memory_space<hbm>>
        %dma_start3A_63 = arith.constant 9984 : i32
        %dma_start3A_64 = arith.constant 0 : i32
        %dma_start3A_65 = tpu.memref_slice %arg10[%dma_start3A_63, %dma_start3A_64] : memref<10240x128xf32, #tpu.memory_space<vmem_shared>> -> memref<16x128xf32, #tpu.memory_space<vmem_shared>>
        tpu.enqueue_dma source(%dma_start3A_65 : memref<16x128xf32, #tpu.memory_space<vmem_shared>>) target(%dma_start3A_62 : memref<16x128xf32, #tpu.memory_space<hbm>>) target_semaphore(%run_scoped3A : memref<!tpu.dma_semaphore, #tpu.memory_space<semaphore_mem>>)
        %dma_wait3A = arith.constant 9984 : i32
        %dma_wait3A_66 = arith.constant 0 : i32
        %dma_wait3A_67 = tpu.memref_slice %arg4[%arg0, %dma_wait3A, %dma_wait3A_66] : memref<2x10000x128xf32, #tpu.memory_space<hbm>> -> memref<1x16x128xf32, #tpu.memory_space<hbm>>
        %dma_wait3A_68 = tpu.memref_squeeze %dma_wait3A_67 : memref<1x16x128xf32, #tpu.memory_space<hbm>> -> memref<16x128xf32, #tpu.memory_space<hbm>>
        %dma_wait3A_69 = arith.constant 9984 : i32
        %dma_wait3A_70 = arith.constant 0 : i32
        %dma_wait3A_71 = tpu.memref_slice %arg10[%dma_wait3A_69, %dma_wait3A_70] : memref<10240x128xf32, #tpu.memory_space<vmem_shared>> -> memref<16x128xf32, #tpu.memory_space<vmem_shared>>
        tpu.wait_dma2 semaphore(%run_scoped3A : memref<!tpu.dma_semaphore, #tpu.memory_space<semaphore_mem>>) src(%dma_wait3A_71 : memref<16x128xf32, #tpu.memory_space<vmem_shared>>) dst(%dma_wait3A_68 : memref<16x128xf32, #tpu.memory_space<hbm>>)
        tpu.yield
      }) : () -> ()
    } else {
    }
    return
  }
}

module attributes {stable_mosaic.version = 14 : i64} {
  func.func @_scl_body(%arg0: i32, %arg1: memref<32x2048xf32, #tpu.memory_space<vmem>>, %arg2: memref<2048xf32, #tpu.memory_space<vmem>>) attributes {dimension_semantics = [#tpu.dimension_semantics<arbitrary>], iteration_bounds = array<i64: 10>, scalar_prefetch = 0 : i64, scratch_operands = 0 : i64, tpu.core_type = #tpu.core_type<tc>, window_params = [{transform_indices = @transform_0, window_bounds = array<i64: 32, 2048>}, {transform_indices = @transform_1, window_bounds = array<i64: 2048>}]} {
    %get3A = arith.constant 0 : index
    %get3A_0 = arith.constant 0 : index
    %get3A_1 = vector.load %arg1[%get3A, %get3A_0] : memref<32x2048xf32, #tpu.memory_space<vmem>>, vector<32x2048xf32>
    %reduce_sum3A = arith.constant dense<0.000000e+00> : vector<2048xf32>
    %reduce_sum3A_2 = vector.multi_reduction <add>, %get3A_1, %reduce_sum3A [0] : vector<32x2048xf32> to vector<2048xf32>
    %max3A = arith.constant 1.000000e+00 : f32
    %max3A_3 = vector.broadcast %max3A : f32 to vector<2048xf32>
    %max3A_4 = arith.maximumf %reduce_sum3A_2, %max3A_3 : vector<2048xf32>
    %rsqrt3A = math.rsqrt %max3A_4 : vector<2048xf32>
    %swap3A = arith.constant 0 : index
    %swap3A_5 = vector.load %arg2[%swap3A] : memref<2048xf32, #tpu.memory_space<vmem>>, vector<2048xf32>
    tpu.vector_store %arg2[%swap3A], %rsqrt3A {strides = array<i32>} : memref<2048xf32, #tpu.memory_space<vmem>>, vector<2048xf32>,
    return
  }
  func.func @transform_0(%arg0: i32) -> (i32, i32) {
    %c0_i32 = arith.constant 0 : i32
    %c0_i32_0 = arith.constant 0 : i32
    return %c0_i32, %arg0 : i32, i32
  }
  func.func @transform_1(%arg0: i32) -> i32 {
    %c0_i32 = arith.constant 0 : i32
    return %arg0 : i32
  }
}

module attributes {stable_mosaic.version = 14 : i64} {
  func.func @_lin_body(%arg0: i32, %arg1: memref<1000x128xf32, #tpu.memory_space<vmem>>, %arg2: memref<128x128xf32, #tpu.memory_space<vmem>>, %arg3: memref<1x128xf32, #tpu.memory_space<vmem>>, %arg4: memref<1000x1xf32, #tpu.memory_space<vmem>>, %arg5: memref<1000x128xf32, #tpu.memory_space<vmem>>) attributes {dimension_semantics = [#tpu.dimension_semantics<arbitrary>], iteration_bounds = array<i64: 10>, scalar_prefetch = 0 : i64, scratch_operands = 0 : i64, tpu.core_type = #tpu.core_type<tc>, window_params = [{transform_indices = @transform_0, window_bounds = array<i64: 1000, 128>}, {pipeline_mode = #tpu.pipeline_mode<synchronous>, transform_indices = @transform_1, window_bounds = array<i64: 128, 128>}, {pipeline_mode = #tpu.pipeline_mode<synchronous>, transform_indices = @transform_2, window_bounds = array<i64: 1, 128>}, {transform_indices = @transform_3, window_bounds = array<i64: 1000, 1>}, {transform_indices = @transform_4, window_bounds = array<i64: 1000, 128>}]} {
    %get3A = arith.constant 0 : index
    %get3A_0 = arith.constant 0 : index
    %get3A_1 = vector.load %arg1[%get3A, %get3A_0] : memref<1000x128xf32, #tpu.memory_space<vmem>>, vector<1000x128xf32>
    %get3A_2 = arith.constant 0 : index
    %get3A_3 = arith.constant 0 : index
    %get3A_4 = vector.load %arg2[%get3A_2, %get3A_3] : memref<128x128xf32, #tpu.memory_space<vmem>>, vector<128x128xf32>
    %dot_general3A = arith.constant dense<0.000000e+00> : vector<1000x128xf32>
    %dot_general3A_5 = tpu.matmul %get3A_1, %get3A_4, %dot_general3A {dimension_numbers = #tpu.dot_dimension_numbers<[1], [1], [0], [0], [0, 0, 1, 0], [], []>, transpose_lhs_hint = false} : vector<1000x128xf32>, vector<128x128xf32>, vector<1000x128xf32> -> vector<1000x128xf32>
    %get3A_6 = arith.constant 0 : index
    %get3A_7 = arith.constant 0 : index
    %get3A_8 = vector.load %arg3[%get3A_6, %get3A_7] : memref<1x128xf32, #tpu.memory_space<vmem>>, vector<1x128xf32>
    %add3A = vector.broadcast %get3A_8 : vector<1x128xf32> to vector<1000x128xf32>
    %add3A_9 = arith.addf %dot_general3A_5, %add3A : vector<1000x128xf32>
    %get3A_10 = arith.constant 0 : index
    %get3A_11 = arith.constant 0 : index
    %get3A_12 = vector.load %arg4[%get3A_10, %get3A_11] : memref<1000x1xf32, #tpu.memory_space<vmem>>, vector<1000x1xf32>
    %mul3A = vector.broadcast %get3A_12 : vector<1000x1xf32> to vector<1000x128xf32>
    %mul3A_13 = arith.mulf %add3A_9, %mul3A : vector<1000x128xf32>
    %swap3A = arith.constant 0 : index
    %swap3A_14 = arith.constant 0 : index
    %swap3A_15 = vector.load %arg5[%swap3A, %swap3A_14] : memref<1000x128xf32, #tpu.memory_space<vmem>>, vector<1000x128xf32>
    tpu.vector_store %arg5[%swap3A, %swap3A_14], %mul3A_13 {strides = array<i32>} : memref<1000x128xf32, #tpu.memory_space<vmem>>, vector<1000x128xf32>,
    return
  }
  func.func @transform_0(%arg0: i32) -> (i32, i32) {
    %c0_i32 = arith.constant 0 : i32
    %c0_i32_0 = arith.constant 0 : i32
    return %arg0, %c0_i32 : i32, i32
  }
  func.func @transform_1(%arg0: i32) -> (i32, i32) {
    %c0_i32 = arith.constant 0 : i32
    %c0_i32_0 = arith.constant 0 : i32
    %c0_i32_1 = arith.constant 0 : i32
    return %c0_i32, %c0_i32_0 : i32, i32
  }
  func.func @transform_2(%arg0: i32) -> (i32, i32) {
    %c0_i32 = arith.constant 0 : i32
    %c0_i32_0 = arith.constant 0 : i32
    %c0_i32_1 = arith.constant 0 : i32
    return %c0_i32, %c0_i32_0 : i32, i32
  }
  func.func @transform_3(%arg0: i32) -> (i32, i32) {
    %c0_i32 = arith.constant 0 : i32
    %c0_i32_0 = arith.constant 0 : i32
    return %arg0, %c0_i32 : i32, i32
  }
  func.func @transform_4(%arg0: i32) -> (i32, i32) {
    %c0_i32 = arith.constant 0 : i32
    %c0_i32_0 = arith.constant 0 : i32
    return %arg0, %c0_i32 : i32, i32
  }
}

module attributes {stable_mosaic.version = 14 : i64} {
  func.func @_fin_body(%arg0: i32, %arg1: memref<2x1000x128xf32, #tpu.memory_space<vmem>>, %arg2: memref<1000x1xf32, #tpu.memory_space<vmem>>, %arg3: memref<1000x128xf32, #tpu.memory_space<vmem>>) attributes {dimension_semantics = [#tpu.dimension_semantics<arbitrary>], iteration_bounds = array<i64: 10>, scalar_prefetch = 0 : i64, scratch_operands = 0 : i64, tpu.core_type = #tpu.core_type<tc>, window_params = [{transform_indices = @transform_0, window_bounds = array<i64: 2, 1000, 128>}, {transform_indices = @transform_1, window_bounds = array<i64: 1000, 1>}, {transform_indices = @transform_2, window_bounds = array<i64: 1000, 128>}]} {
    %get3A = arith.constant 0 : index
    %get3A_0 = arith.constant 0 : index
    %get3A_1 = arith.constant 0 : index
    %get3A_2 = vector.load %arg1[%get3A, %get3A_0, %get3A_1] : memref<2x1000x128xf32, #tpu.memory_space<vmem>>, vector<1x1000x128xf32>
    %get3A_3 = vector.shape_cast %get3A_2 : vector<1x1000x128xf32> to vector<1000x128xf32>
    %get3A_4 = arith.constant 1 : index
    %get3A_5 = arith.constant 0 : index
    %get3A_6 = arith.constant 0 : index
    %get3A_7 = vector.load %arg1[%get3A_4, %get3A_5, %get3A_6] : memref<2x1000x128xf32, #tpu.memory_space<vmem>>, vector<1x1000x128xf32>
    %get3A_8 = vector.shape_cast %get3A_7 : vector<1x1000x128xf32> to vector<1000x128xf32>
    %add3A = arith.addf %get3A_3, %get3A_8 : vector<1000x128xf32>
    %get3A_9 = arith.constant 0 : index
    %get3A_10 = arith.constant 0 : index
    %get3A_11 = vector.load %arg2[%get3A_9, %get3A_10] : memref<1000x1xf32, #tpu.memory_space<vmem>>, vector<1000x1xf32>
    %mul3A = vector.broadcast %get3A_11 : vector<1000x1xf32> to vector<1000x128xf32>
    %mul3A_12 = arith.mulf %add3A, %mul3A : vector<1000x128xf32>
    %logistic3A = arith.negf %mul3A_12 : vector<1000x128xf32>
    %logistic3A_13 = math.exp %logistic3A : vector<1000x128xf32>
    %logistic3A_14 = arith.constant 1.000000e+00 : f32
    %logistic3A_15 = vector.broadcast %logistic3A_14 : f32 to vector<1000x128xf32>
    %logistic3A_16 = arith.addf %logistic3A_15, %logistic3A_13 : vector<1000x128xf32>
    %logistic3A_17 = arith.divf %logistic3A_15, %logistic3A_16 : vector<1000x128xf32>
    %mul3A_18 = arith.mulf %mul3A_12, %logistic3A_17 : vector<1000x128xf32>
    %swap3A = arith.constant 0 : index
    %swap3A_19 = arith.constant 0 : index
    %swap3A_20 = vector.load %arg3[%swap3A, %swap3A_19] : memref<1000x128xf32, #tpu.memory_space<vmem>>, vector<1000x128xf32>
    tpu.vector_store %arg3[%swap3A, %swap3A_19], %mul3A_18 {strides = array<i32>} : memref<1000x128xf32, #tpu.memory_space<vmem>>, vector<1000x128xf32>,
    return
  }
  func.func @transform_0(%arg0: i32) -> (i32, i32, i32) {
    %c0_i32 = arith.constant 0 : i32
    %c0_i32_0 = arith.constant 0 : i32
    %c0_i32_1 = arith.constant 0 : i32
    return %c0_i32, %arg0, %c0_i32_0 : i32, i32, i32
  }
  func.func @transform_1(%arg0: i32) -> (i32, i32) {
    %c0_i32 = arith.constant 0 : i32
    %c0_i32_0 = arith.constant 0 : i32
    return %arg0, %c0_i32 : i32, i32
  }
  func.func @transform_2(%arg0: i32) -> (i32, i32) {
    %c0_i32 = arith.constant 0 : i32
    %c0_i32_0 = arith.constant 0 : i32
    return %arg0, %c0_i32 : i32, i32
  }
}

</mosaic_0001>

<sc_bundles>
// kernel: kernel.10.cloned.1.call-start
scs
__scs_entry_jumppad:
0x0: {  	(pc) =	sbr.rel $0x88, $3  }
0x1: {  	(tag) =	ssettag $0x0;
	lr =	simm.s32 $0x1  }
0x2: {  	[smem:$0x3F9D] =	sst lr;
	_ =	strace $0xD0000000  }
0x3: {  	_ = 	snop  }
0x4: {  	_ = 	snop  }
0x5: {  	_ = 	snop  }
0x6: {  	_ = 	snop  }
0x7: {  	_ = 	snop  }
__scs_overlays_trampoline_lowered:
0x8: {  	[smem:$0x3FAC] =	sst s0  }
0x9: {  	[smem:$0x3FAD] =	sst s1  }
0xa: {  	[smem:$0x3FAE] =	sst s2  }
0xb: {  	[smem:$0x3FAF] =	sst s3  }
0xc: {  	[smem:$0x3FB0] =	sst s4  }
0xd: {  	[smem:$0x3FB1] =	sst s5  }
0xe: {  	[smem:$0x3FB2] =	sst s6  }
0xf: {  	[smem:$0x3FB3] =	sst s7  }
0x10: {  	[smem:$0x3FB4] =	sst s8  }
0x11: {  	[smem:$0x3FB5] =	sst s9;
	s0 =	simm.s32 @!p0 $0x0  }
0x12: {  	s1 =	sld [smem:$0x3F9B];
	s0 =	simm.s32 @p0 $0x1  }
0x13: {  	[smem:$0x3FB6] =	sst s0;
	s0 =	simm.s32 @!p1 $0x0  }
0x14: {  	s2 =	sld [smem:$0x3F9A];
	s0 =	simm.s32 @p1 $0x1  }
0x15: {  	[smem:$0x3FB7] =	sst s0;
	s0 =	simm.s32 @!p2 $0x0  }
0x16: {  	s3 =	sld [smem:$0x3FDB];
	s0 =	simm.s32 @p2 $0x1  }
0x17: {  	s4 =	simm.s32 $0x1BF5;
	[smem:$0x3FB9] =	sst s0  }
0x18: {  	s0 =	sld [smem:$0x3F9C];
	_ =	swait.ge [sflag:s4], $0x0  }
0x19: {  	s7 =	sld [smem:$0x3F9D]  }
0x1a: {  	s8 =	sadd.s32 $0xFFFFE003, lr  }
0x1b: {  	s9 =	sadd.s32 $0xFFFFFEF7, lr;
	s5 =	simm.s32 $0xFFFFFFFF;
	p2 =	slt.u32 s8, $0xFFFFF086  }
0x1c: {  	p1 =	slt.u32 s9, $0xF7A;
	s5 =	simm.s32 @!p2 $0x0  }
0x1d: {  	s5 =	simm.s32 @p1 $0x1;
	p0 =	seq.s32 s7, s2  }
0x1e: {  	s7 =	smul.u32 @!p0 $0xF7A, s2;
	p2 =	seq.s32 @!p0 s5, $0x0  }
0x1f: {  	s9 =	smul.u32 $0xF7A, s1;
	s8 =	simm.s32 @!p0 $0x1BF5;
	p2 =	por !p2, p0  }
0x20: {  	[sflag:s8] =	ssyncset.s32 @!p0 $0xFFFFF086;
	s6 =	sadd.s32 @!p0 s3, s7;
	s7 =	simm.s32 @!p0 $0x108  }
0x21: {  	s3 =	sadd.s32 s3, s9;
	s6 =	sadd.s32 @!p0 $0x88, s6;
	s7 =	simm.s32 @p2 $0x1082  }
0x22: {  	[simem:s7], [sflag:s8] =	dma.local @!p0 [hbm:s6], $0xF7A  }
0x23: {  	s9 =	sor.u32 $0xD0000000, s2;
	s6 =	simm.s32 $0x108;
	_ =	swait.ge @!p0 [sflag:s8], $0x0  }
0x24: {  	s3 =	sadd.s32 $0x88, s3;
	s6 =	simm.s32 @!p1 $0x1082;
	[sflag:s4] =	ssyncset.s32 $0xFFFFF086  }
0x25: {  	[simem:s6], [sflag:s4] =	dma.local [hbm:s3], $0xF7A  }
0x26: {  	[smem:$0x3F9D] =	sst s1;
	(tag) =	ssettag s2;
	_ =	strace s9  }
0x27: {  	s1 =	sld [smem:$0x3FAD]  }
0x28: {  	s2 =	sld [smem:$0x3FAE]  }
0x29: {  	s4 =	sld [smem:$0x3FB0]  }
0x2a: {  	p0 =	seq.s32 s5, $0x0;
	s5 =	sld [smem:$0x3FB1]  }
0x2b: {  	s6 =	sld [smem:$0x3FB2]  }
0x2c: {  	s7 =	sld [smem:$0x3FB3]  }
0x2d: {  	s3 =	simm.s32 $0x108;
	s8 =	sld [smem:$0x3FB4]  }
0x2e: {  	s3 =	simm.s32 @!p0 $0x1082;
	s9 =	sld [smem:$0x3FB5]  }
0x2f: {  	lr =	sadd.s32 s0, s3;
	s0 =	sld [smem:$0x3FAC]  }
0x30: {  	s3 =	sld [smem:$0x3FAF]  }
0x31: {  	[smem:$0x3FB8] =	sst s10  }
0x32: {  	s10 =	sld [smem:$0x3FB6];
	_ =	sdelay $0x3  }
0x33: {  	p0 =	seq.s32 s10, $0x1;
	s10 =	sld [smem:$0x3FB8];
	_ =	sdelay $0x3  }
0x34: {  	[smem:$0x3FB8] =	sst s10  }
0x35: {  	s10 =	sld [smem:$0x3FB7];
	_ =	sdelay $0x3  }
0x36: {  	p1 =	seq.s32 s10, $0x1;
	s10 =	sld [smem:$0x3FB8];
	_ =	sdelay $0x3  }
0x37: {  	[smem:$0x3FB8] =	sst s10  }
0x38: {  	s10 =	sld [smem:$0x3FB9]  }
0x39: {  	_ = 	snop;
	(pc) =	sbr.ind lr, $3  }
0x3a: {  	_ = 	snop  }
0x3b: {  	_ = 	snop  }
0x3c: {  	p2 =	seq.s32 s10, $0x1;
	s10 =	sld [smem:$0x3FB8]  }
0x3d: {  	_ =	shalt  }
0x3e: {  	_ =	shalt  }
0x3f: {  	_ =	shalt  }
0x40: {  	_ =	shalt  }
0x41: {  	_ =	shalt  }
0x42: {  	_ =	shalt  }
0x43: {  	_ =	shalt  }
0x44: {  	_ =	shalt  }
0x45: {  	_ =	shalt  }
0x46: {  	_ =	shalt  }
0x47: {  	_ =	shalt  }
0x48: {  	_ =	shalt  }
0x49: {  	_ =	shalt  }
0x4a: {  	_ =	shalt  }
0x4b: {  	_ =	shalt  }
0x4c: {  	_ =	shalt  }
0x4d: {  	_ =	shalt  }
0x4e: {  	_ =	shalt  }
0x4f: {  	_ =	shalt  }
0x50: {  	_ =	shalt  }
0x51: {  	_ =	shalt  }
0x52: {  	_ =	shalt  }
0x53: {  	_ =	shalt  }
0x54: {  	_ =	shalt  }
0x55: {  	_ =	shalt  }
0x56: {  	_ =	shalt  }
0x57: {  	_ =	shalt  }
0x58: {  	_ =	shalt  }
0x59: {  	_ =	shalt  }
0x5a: {  	_ =	shalt  }
0x5b: {  	_ =	shalt  }
0x5c: {  	_ =	shalt  }
0x5d: {  	_ =	shalt  }
0x5e: {  	_ =	shalt  }
0x5f: {  	_ =	shalt  }
0x60: {  	_ =	shalt  }
0x61: {  	_ =	shalt  }
0x62: {  	_ =	shalt  }
0x63: {  	_ =	shalt  }
0x64: {  	_ =	shalt  }
0x65: {  	_ =	shalt  }
0x66: {  	_ =	shalt  }
0x67: {  	_ =	shalt  }
0x68: {  	_ =	shalt  }
0x69: {  	_ =	shalt  }
0x6a: {  	_ =	shalt  }
0x6b: {  	_ =	shalt  }
0x6c: {  	_ =	shalt  }
0x6d: {  	_ =	shalt  }
0x6e: {  	_ =	shalt  }
0x6f: {  	_ =	shalt  }
0x70: {  	_ =	shalt  }
0x71: {  	_ =	shalt  }
0x72: {  	_ =	shalt  }
0x73: {  	_ =	shalt  }
0x74: {  	_ =	shalt  }
0x75: {  	_ =	shalt  }
0x76: {  	_ =	shalt  }
0x77: {  	_ =	shalt  }
0x78: {  	_ =	shalt  }
0x79: {  	_ =	shalt  }
0x7a: {  	_ =	shalt  }
0x7b: {  	_ =	shalt  }
0x7c: {  	_ =	shalt  }
0x7d: {  	_ =	shalt  }
0x7e: {  	_ =	shalt  }
0x7f: {  	_ =	shalt  }
0x80: {  	_ =	shalt  }
0x81: {  	_ =	shalt  }
0x82: {  	_ =	shalt  }
0x83: {  	_ =	shalt  }
0x84: {  	_ =	shalt  }
0x85: {  	_ =	shalt  }
0x86: {  	_ =	shalt  }
0x87: {  	_ =	shalt  }
.Lfunc_end0:
.L_simem_size_0:
called_computation.1_lowered:
.L_overlay_start_0:
0x88: {  	s2 =	sld [smem:$0x3FD9]  }
0x89: {  	s3 =	sld [smem:$0x3FFE];
	_ =	sdelay $0x1  }
0x8a: {  	s1 =	srdreg.scid  }
0x8b: {  	s0 =	sand.u32 $0x1, s1  }
0x8c: {  	s14 =	sshll.u32 s0, $0xA;
	s2 =	sadd.s32 s3, s2  }
0x8d: {  	s2 =	sadd.s32 s2, s14  }
0x8e: {  	[smem:$0x3FC4] =	sst s2  }
0x8f: {  	_ = 	snop  }
0x90: {  	s2 =	sld [smem:$0x3FD0];
	_ =	sdelay $0x2  }
0x91: {  	s4 =	simm.s32 $0xA;
	s5 =	simm.s32 $0x10;
	s15 =	sld [smem:$0x3FC8]  }
0x92: {  	[smem:s5], [sflag:s4] =	dma.local [hbm:s2], $0x1  }
0x93: {  	_ =	swait.eq [sflag:s4], $0x1  }
0x94: {  	[sflag:s4] =	ssyncset.done $0x0  }
0x95: {  	[sflag:s4] =	ssyncadd.s32 $0xFFFFFFFF  }
0x96: {  	s16 =	sld [smem:$0x10];
	(tm) =	ssettm $0x1  }
0x97: {  	s17 =	sld [smem:$0x3FFB];
	_ =	sdelay $0x3  }
0x98: {  	_ =	strace s17  }
0x99: {  	s4 =	sld [smem:$0x3FFC];
	_ =	sdelay $0x3  }
0x9a: {  	_ =	strace s4  }
0x9b: {  	s4 =	sld [smem:$0x3FFD];
	_ =	sdelay $0x3  }
0x9c: {  	_ =	strace s4  }
0x9d: {  	_ =	strace $0x8FFFFFFF  }
0x9e: {  	s18 =	sld [smem:$0x3FDB];
	_ =	sdelay $0x1  }
0x9f: {  	s19 =	simm.s32 $_scs_section_size  }
0xa0: {  	s6 =	simm.s32 $_size__tile_overlayer_lowered;
	s7 =	simm.s32 $_tile_overlayer_lowered  }
0xa1: {  	s22 =	simm.s32 $0x1BFF;
	s21 =	sshll.u32 s7, $0x1;
	s4 =	sadd.s32 s19, s18  }
0xa2: {  	s8 =	simm.s32 $0x0;
	s20 =	sshll.u32 s6, $0x1;
	s6 =	sadd.s32 s21, s4  }
0xa3: {  	[timem:s8], [sflag:s22] =	dma.local [hbm:s6], s20  }
0xa4: {  	_ =	swait.ge [sflag:s22], s20  }
0xa5: {  	s5 =	ssub.s32 $0x0, s20;
	[sflag:s22] =	ssyncset.done $0x0  }
0xa6: {  	[sflag:s22] =	ssyncadd.s32 s5;
	_ =	sdelay $0x1  }
0xa7: {  	s23 =	simm.s32 $0x1B8B  }
0xa8: {  	_ =	swait.ge [sflag:s23], $0x1  }
0xa9: {  	[sflag:s23] =	ssyncset.done $0x0  }
0xaa: {  	s25 =	simm.s32 $0x1B8E;
	s24 =	sld [smem:$0x3FFE];
	[sflag:s23] =	ssyncadd.s32 $0xFFFFFFFF  }
0xab: {  	s26 =	simm.s32 $execute0_lowered;
	[smem:$0x3FD2] =	sst s25  }
0xac: {  	s6 =	sshll.u32 s26, $0x1;
	_ =	strace $0x80000049;
	[dreg:$0x1] =	wrdreg $0xFFFFFFFF  }
0xad: {  	s28 =	simm.s32 $_size_execute0_lowered;
	s4 =	sadd.s32 s4, s6;
	[dreg:$0x0] =	wrdreg $0x0  }
0xae: {  	s6 =	sshll.u32 s28, $0x1;
	[dreg:$0x2] =	wrdreg s4  }
0xaf: {  	[dreg:$0x3] =	wrdreg s6  }
0xb0: {  	[dreg:$0x4] =	wrdreg $0xC0  }
0xb1: {  	_ =	task [dreg:s8], $0x5FFFF  }
0xb2: {  	[dreg:$0x1] =	wrdreg $0xFFFFFFFF  }
0xb3: {  	[dreg:$0x0] =	wrdreg $0x60  }
0xb4: {  	[dreg:$0x2] =	wrdreg s16  }
0xb5: {  	[dreg:$0x3] =	wrdreg s15  }
0xb6: {  	[dreg:$0x4] =	wrdreg s24  }
0xb7: {  	[dreg:$0x5] =	wrdreg $0xC0000  }
0xb8: {  	[dreg:$0x6] =	wrdreg $0x9  }
0xb9: {  	_ =	task.clear_ibuf [dreg:s8], $0x7FFFF;
	_ =	strace $0x90000049  }
0xba: {  	s29 =	simm.s32 $0x9;
	_ =	strace $0x8000004B  }
0xbb: {  	_ =	swait.ge [sflag:s29], $0x1  }
0xbc: {  	[sflag:s29] =	ssyncadd.s32 $0xFFFFFFFF  }
0xbd: {  	_ =	strace $0x9000004B  }
0xbe: {  	_ =	sfence  }
0xbf: {  	s30 =	sld [smem:$0x0];
	_ =	sdelay $0x2  }
0xc0: {  	s31 =	sshll.u32 s1, $0xD;
	s1 =	sshrl.u32 s1, $0x2  }
0xc1: {  	s3 =	sand.u32 $0x4000, s31;
	s1 =	sadd.s32 s1, s30  }
0xc2: {  	s0 =	sor.u32 s3, s0;
	s1 =	sshll.u32 s1, $0x11  }
0xc3: {  	s0 =	sor.u32 s1, s0  }
0xc4: {  	s0 =	sadd.s32 $0x8F2B, s0  }
0xc5: {  	[sflag:s0] =	ssyncadd.remote.s32 $0x1  }
0xc6: {  	_ =	sfence.sel $0xFFFF  }
0xc7: {  	[dreg:$0x0] =	wrdreg $0xFFFFFFFF;
	(pc) =	sbr.abs _section_cstart, $3  }
0xc8: {  	[dreg:$0x1] =	wrdreg $0xFFFFFFFF  }
0xc9: {  	_ =	task.clear_ibuf [dreg:s8], $0x2FFFF;
	_ =	strace $0x9FFFFFFF  }
0xca: {  	(tm) =	ssettm $0x7FFFFFFF  }
0xcb: {  	_ =	shalt  }
tec
execute0_lowered:
.L_overlay_start_1:
0x0: {  	(tag) =	ssettag $0x1  }
0x1: {  	s0 =	rddreg [dreg:$0x0]  }
0x2: {  	s1 =	rddreg [dreg:$0x1]  }
0x3: {  	s3 =	rddreg [dreg:$0x2]  }
0x4: {  	s2 =	rddreg [dreg:$0x3]  }
0x5: {  	s17 =	stileid.u32;
	s4 =	srdreg.scid;
	s6 =	simm.s32 $0x0  }
0x6: {  	s28 =	simm.s32 $0x6000;
	s30 =	simm.s32 $0x8000;
	s5 =	smul.u32 $0x50000, s17  }
0x7: {  	s31 =	simm.s32 $0x1;
	s4 =	sand.u32 $0x1, s4;
	s19 =	smul.u32 $0xF00, s17  }
0x8: {  	[smem:$0x7FF] =	sst s6;
	s3 =	sadd.s32 $0x1C00, s3;
	s22 =	smul.u32 $0x13800, s17  }
0x9: {  	s24 =	smul.u32 $0x4E000, s17;
	p1 =	sne.s32 s17, $0x0;
	p2 =	seq.s32 s17, $0xF  }
0xa: {  	s15 =	ssub.s32 $0x2, s4;
	_ =	strace $0x8000004A;
	p0 =	seq.s32 s4, $0x1  }
0xb: {  	s4 =	smul.u32 $0x138800, s4;
	s5 =	sshrl.u32 s5, $0x2;
	s7 =	sshrl.u32 s15, $0x1  }
0xc: {  	s26 =	sshrl.u32 s24, $0x2;
	s5 =	sadd.s32 s5, s2;
	s6 =	ssub.s32 s15, s7  }
0xd: {  	s15 =	smul.u32 $0x7800, s17;
	s7 =	sadd.s32 s1, s19;
	s25 =	sadd.s32 s22, s4  }
0xe: {  	s4 =	sshrl.u32 s4, $0x3;
	s29 =	sadd.s32 s26, s2;
	s22 =	simm.s32 $0x4000  }
0xf: {  	s26 =	simm.s32 $0x40;
	s16 =	sadd.s32 $0x2000, s5;
	s18 =	sadd.s32 $0x4000, s5  }
0x10: {  	s8 =	sadd.s32 $0x6000, s5;
	s9 =	sadd.s32 $0x8000, s5;
	s10 =	sadd.s32 $0xA000, s5  }
0x11: {  	s11 =	sadd.s32 $0xC000, s5;
	s12 =	sadd.s32 $0xE000, s5;
	s13 =	sadd.s32 $0x10000, s5  }
0x12: {  	s14 =	sadd.s32 $0x12000, s5;
	[dreg:$0x7] =	wrdreg s7;
	s24 =	sshrl.u32 s29, $0x3  }
0x13: {  	[dreg:$0x5] =	wrdreg s16;
	s16 =	smul.u32 $0x1300, s17;
	s20 =	sshrl.u32 s15, $0x3  }
0x14: {  	[dreg:$0x6] =	wrdreg s18;
	s17 =	simm.s32 $0x3;
	s7 =	sadd.s32 s1, s20  }
0x15: {  	s18 =	simm.s32 $0x4;
	s21 =	sshrl.u32 s16, $0x2;
	s7 =	sadd.s32 $0x800, s7  }
0x16: {  	s15 =	simm.s32 $0x0;
	[dreg:$0x8] =	wrdreg s7;
	s23 =	sadd.s32 s1, s21  }
.Ltmp0:
0x17: {  	s1 =	sadd.s32 $0x13740, s1;
	s21 =	smax.u32 s6, $0x1;
	(pc) =	sbr.rel .LBB2_1-.Ltmp0, $4  }
0x18: {  	s7 =	sadd.s32 $0xF000, s23;
	[dreg:$0xa] =	wrdreg s1;
	s1 =	sshrl.u32 s25, $0x3  }
0x19: {  	s23 =	simm.s32 $0x5;
	s19 =	sadd.s32 s3, s1;
	s3 =	sadd.s32 s3, s4  }
0x1a: {  	[dreg:$0x9] =	wrdreg s7;
	s20 =	sadd.s32 $0x27000, s3;
	s3 =	sadd.s32 $0x138000, s2  }
0x1b: {  	v0 =	vimm.f32 $0.0e+00;
	v1 =	vimm.s32 $0x0;
	v2 =	vimm.s32 $0x2710;
	s1 =	simm.s32 $0xA000;
	s4 =	simm.s32 $0x2;
	s25 =	sshrl.u32 @!p1 s3, $0x3  }
.LBB2_16:
0x1c: {  	_ =	swait.ge [sflag:s31], $0x2000  }
0x1d: {  	[sflag:s31] =	ssyncset.done $0x0  }
0x1e: {  	[sflag:s31] =	ssyncadd.s32 $0xFFFFE000  }
0x1f: {  	[tilespmem:s1], [sflag:$0x4] =	stream.indirect.gather [hbm4b:s0+s26], $0x80, s7, s26, $0xb8;
	v63 =	vld [tilespmem:$0x0]  }
0x20: {  	_ = 	snop  }
0x21: {  	[spmem:s2] =	stream.indirect.scatter.add.f32 [tilespmem:s22], [sflag:$0x5], $0x80, s6, s26, $0xb8;
	v63 =	vld [tilespmem:$0x0]  }
0x22: {  	_ =	swait.ge [sflag:s23], $0x2000  }
0x23: {  	[sflag:s23] =	ssyncset.done $0x0  }
0x24: {  	[sflag:s23] =	ssyncadd.s32 $0xFFFFE000  }
0x25: {  	_ =	swait.ge [sflag:s4], $0x2000  }
0x26: {  	[sflag:s4] =	ssyncset.done $0x0  }
0x27: {  	[sflag:s4] =	ssyncadd.s32 $0xFFFFE000  }
0x28: {  	[spmem:s2] =	stream.indirect.scatter.add.f32 [tilespmem:s28], [sflag:$0x5], $0x80, s29, s26, $0xb8;
	v63 =	vld [tilespmem:$0x0]  }
0x29: {  	_ =	swait.ge [sflag:s23], $0x2000  }
0x2a: {  	[sflag:s23] =	ssyncset.done $0x0  }
0x2b: {  	[sflag:s23] =	ssyncadd.s32 $0xFFFFE000  }
0x2c: {  	_ =	swait.ge [sflag:s17], $0x2000  }
0x2d: {  	[sflag:s17] =	ssyncset.done $0x0  }
0x2e: {  	[sflag:s17] =	ssyncadd.s32 $0xFFFFE000  }
0x2f: {  	[spmem:s2] =	stream.indirect.scatter.add.f32 [tilespmem:s30], [sflag:$0x5], $0x80, s16, s26, $0xb8;
	v63 =	vld [tilespmem:$0x0]  }
0x30: {  	_ =	swait.ge [sflag:s23], $0x2000  }
0x31: {  	[sflag:s23] =	ssyncset.done $0x0  }
0x32: {  	[sflag:s23] =	ssyncadd.s32 $0xFFFFE000  }
0x33: {  	_ =	swait.ge [sflag:s18], $0x2000  }
0x34: {  	[sflag:s18] =	ssyncset.done $0x0  }
0x35: {  	[sflag:s18] =	ssyncadd.s32 $0xFFFFE000  }
0x36: {  	[spmem:s2] =	stream.indirect.scatter.add.f32 [tilespmem:s1], [sflag:$0x5], $0x80, s3, s26, $0xb8;
	v63 =	vld [tilespmem:$0x0]  }
0x37: {  	_ =	swait.ge [sflag:s23], $0x2000  }
0x38: {  	s29 =	stileid.u32;
	[sflag:s23] =	ssyncset.done $0x0  }
0x39: {  	s3 =	sshll.u32 s29, $0x6;
	[sflag:s23] =	ssyncadd.s32 $0xFFFFE000  }
0x3a: {  	s3 =	sor.u32 $0x1C05, s3;
	[bflag:$0x0] =	sbarrier.arrive $0xFFFF  }
0x3b: {  	[hbm:s19], [sflag:s3] =	dma.local [spmem:s24], $0x2700  }
0x3c: {  	_ =	swait.ge [sflag:s23], $0x2700  }
0x3d: {  	s15 =	sadd.s32 $0x1, s15;
	[sflag:s23] =	ssyncset.done $0x0  }
0x3e: {  	p3 =	sne.s32 s15, s21;
	[sflag:s23] =	ssyncadd.s32 $0xFFFFD900  }
0x3f: {  	[hbm:s20], [sflag:s3] =	dma.local @!p1 [spmem:s25], $0x100  }
.Ltmp1:
0x40: {  	_ = 	snop;
	(pc) =	sbr.rel @!p3 .LBB2_17-.Ltmp1, $4  }
0x41: {  	s3 =	simm.s32 @!p1 $0x5  }
0x42: {  	_ =	swait.ge @!p1 [sflag:s3], $0x100  }
0x43: {  	[sflag:s3] =	ssyncset.done @!p1 $0x0  }
0x44: {  	[sflag:s3] =	ssyncadd.s32 @!p1 $0xFFFFFF00  }
.LBB2_1:
0x45: {  	s3 =	simm.s32 $0x0;
	s16 =	simm.s32 $0x200  }
.LBB2_2:
0x46: {  	p3 =	sne.s32 s16, $0x7E00;
	[tilespmem:s3+$0x4070] =	vst v0  }
0x47: {  	[tilespmem:s3+$0x4000] =	vst v0  }
0x48: {  	[tilespmem:s3+$0x4010] =	vst v0  }
.Ltmp2:
0x49: {  	[tilespmem:s3+$0x4020] =	vst v0;
	(pc) =	sbr.rel @p3 .LBB2_2-.Ltmp2, $4  }
0x4a: {  	[tilespmem:s3+$0x4030] =	vst v0  }
0x4b: {  	[tilespmem:s3+$0x4040] =	vst v0  }
0x4c: {  	[tilespmem:s3+$0x4050] =	vst v0  }
0x4d: {  	[tilespmem:s3+$0x4060] =	vst v0;
	s3 =	sshra.s32 s16, $0x2;
	s16 =	sadd.s32 $0x200, s16  }
0x4e: {  	[tilespmem:s3+$0x4070] =	vst v0  }
0x4f: {  	[tilespmem:s3+$0x4000] =	vst v0  }
0x50: {  	[tilespmem:s3+$0x4010] =	vst v0  }
0x51: {  	[tilespmem:s3+$0x4020] =	vst v0  }
0x52: {  	[tilespmem:s3+$0x4030] =	vst v0  }
0x53: {  	[tilespmem:s3+$0x4040] =	vst v0  }
0x54: {  	[tilespmem:s3+$0x4050] =	vst v0  }
0x55: {  	[tilespmem:s3+$0x4060] =	vst v0  }
0x56: {  	[spmem:s5] =	stream.linear.scatter [tilespmem:s22], [sflag:$0x5], $0x2000, $0x38;
	v63 =	vld [tilespmem:$0x0]  }
0x57: {  	_ =	swait.ge [sflag:s23], $0x2000  }
0x58: {  	[sflag:s23] =	ssyncset.done $0x0  }
0x59: {  	s16 =	rddreg [dreg:$0x5];
	[sflag:s23] =	ssyncadd.s32 $0xFFFFE000  }
0x5a: {  	[spmem:s16] =	stream.linear.scatter [tilespmem:s22], [sflag:$0x5], $0x2000, $0x38;
	v63 =	vld [tilespmem:$0x0]  }
0x5b: {  	_ =	swait.ge [sflag:s23], $0x2000  }
0x5c: {  	[sflag:s23] =	ssyncset.done $0x0  }
0x5d: {  	s29 =	rddreg [dreg:$0x6];
	[sflag:s23] =	ssyncadd.s32 $0xFFFFE000  }
0x5e: {  	[spmem:s29] =	stream.linear.scatter [tilespmem:s22], [sflag:$0x5], $0x2000, $0x38;
	v63 =	vld [tilespmem:$0x0]  }
0x5f: {  	_ =	swait.ge [sflag:s23], $0x2000  }
0x60: {  	[sflag:s23] =	ssyncset.done $0x0  }
0x61: {  	[sflag:s23] =	ssyncadd.s32 $0xFFFFE000  }
0x62: {  	[spmem:s8] =	stream.linear.scatter [tilespmem:s22], [sflag:$0x5], $0x2000, $0x38;
	v63 =	vld [tilespmem:$0x0]  }
0x63: {  	_ =	swait.ge [sflag:s23], $0x2000  }
0x64: {  	[sflag:s23] =	ssyncset.done $0x0  }
0x65: {  	[sflag:s23] =	ssyncadd.s32 $0xFFFFE000  }
0x66: {  	[spmem:s9] =	stream.linear.scatter [tilespmem:s22], [sflag:$0x5], $0x2000, $0x38;
	v63 =	vld [tilespmem:$0x0]  }
0x67: {  	_ =	swait.ge [sflag:s23], $0x2000  }
0x68: {  	[sflag:s23] =	ssyncset.done $0x0  }
0x69: {  	[sflag:s23] =	ssyncadd.s32 $0xFFFFE000  }
0x6a: {  	[spmem:s10] =	stream.linear.scatter [tilespmem:s22], [sflag:$0x5], $0x2000, $0x38;
	v63 =	vld [tilespmem:$0x0]  }
0x6b: {  	_ =	swait.ge [sflag:s23], $0x2000  }
0x6c: {  	[sflag:s23] =	ssyncset.done $0x0  }
0x6d: {  	[sflag:s23] =	ssyncadd.s32 $0xFFFFE000  }
0x6e: {  	[spmem:s11] =	stream.linear.scatter [tilespmem:s22], [sflag:$0x5], $0x2000, $0x38;
	v63 =	vld [tilespmem:$0x0]  }
0x6f: {  	_ =	swait.ge [sflag:s23], $0x2000  }
0x70: {  	[sflag:s23] =	ssyncset.done $0x0  }
0x71: {  	[sflag:s23] =	ssyncadd.s32 $0xFFFFE000  }
0x72: {  	[spmem:s12] =	stream.linear.scatter [tilespmem:s22], [sflag:$0x5], $0x2000, $0x38;
	v63 =	vld [tilespmem:$0x0]  }
0x73: {  	_ =	swait.ge [sflag:s23], $0x2000  }
0x74: {  	[sflag:s23] =	ssyncset.done $0x0  }
0x75: {  	[sflag:s23] =	ssyncadd.s32 $0xFFFFE000  }
0x76: {  	[spmem:s13] =	stream.linear.scatter [tilespmem:s22], [sflag:$0x5], $0x2000, $0x38;
	v63 =	vld [tilespmem:$0x0]  }
0x77: {  	_ =	swait.ge [sflag:s23], $0x2000  }
0x78: {  	[sflag:s23] =	ssyncset.done $0x0  }
0x79: {  	[sflag:s23] =	ssyncadd.s32 $0xFFFFE000  }
0x7a: {  	[spmem:s14] =	stream.linear.scatter [tilespmem:s22], [sflag:$0x5], $0x2000, $0x38;
	v63 =	vld [tilespmem:$0x0]  }
.Ltmp3:
0x7b: {  	_ =	swait.ge [sflag:s23], $0x2000;
	(pc) =	sbr.rel @!p0 .LBB2_4-.Ltmp3, $4  }
0x7c: {  	[sflag:s23] =	ssyncset.done $0x0  }
0x7d: {  	[sflag:s23] =	ssyncadd.s32 $0xFFFFE000  }
0x7e: {  	[bflag:$0x0] =	sbarrier.arrive $0xFFFF  }
0x7f: {  	s3 =	simm.s32 $0x0  }
.Ltmp4:
0x80: {  	(pc) =	sbr.rel @!p2 .LBB2_10-.Ltmp4, $1  }
0x81: {  	_ =	sdelay $0x3  }
0x82: {  	s6 =	rddreg [dreg:$0xa]  }
0x83: {  	[tilespmem:s3], [sflag:$0x5] =	stream.linear.gather [hbm4b:s6+s3], $0xA00, $0x38;
	v63 =	vld [tilespmem:$0x0]  }
0x84: {  	_ =	swait.ge [sflag:s23], $0xA00  }
0x85: {  	s29 =	sand.u32 $0x70, s3;
	s7 =	sand.u32 $0x1F00, s3;
	[sflag:s23] =	ssyncset.done $0x0  }
0x86: {  	s6 =	sor.u32 s29, s7;
	[sflag:s23] =	ssyncadd.s32 $0xFFFFF600  }
0x87: {  	[tilespmem:s6+$0xA80] =	vst v2  }
0x88: {  	s16 =	simm.s32 $0x10;
	[tilespmem:s6+$0xA00] =	vst v1  }
.LBB2_12:
0x89: {  	p3 =	sne.s32 s16, $0xDF0  }
.Ltmp5:
0x8a: {  	s6 =	sand.u32 $0x70, s16;
	s3 =	sadd.s32 $0x20, s3;
	(pc) =	sbr.rel @p3 .LBB2_12-.Ltmp5, $4  }
0x8b: {  	s16 =	sadd.s32 $0x10, s16;
	s7 =	sand.u32 $0x1F00, s3  }
0x8c: {  	s6 =	sor.u32 s6, s7  }
0x8d: {  	[tilespmem:s6+$0xA80] =	vst v2  }
0x8e: {  	[tilespmem:s6+$0xA00] =	vst v1  }
.Ltmp6:
0x8f: {  	_ = 	snop;
	(pc) =	sbr.rel .LBB2_13-.Ltmp6, $1  }
0x90: {  	_ =	sdelay $0x3  }
.LBB2_4:
0x91: {  	s6 =	rddreg [dreg:$0x7]  }
0x92: {  	[tilespmem:s3], [sflag:$0x5] =	stream.linear.gather [hbm4b:s6+s3], $0x4000, $0x38;
	v63 =	vld [tilespmem:$0x0]  }
0x93: {  	_ =	swait.ge [sflag:s23], $0x4000  }
0x94: {  	[sflag:s23] =	ssyncset.done $0x0  }
0x95: {  	[sflag:s23] =	ssyncadd.s32 $0xFFFFC000  }
0x96: {  	[tilespmem:s22], [sflag:$0x1] =	stream.indirect.gather [hbm4b:s0+s26], $0x80, s3, s26, $0xb8;
	v63 =	vld [tilespmem:$0x0]  }
0x97: {  	_ = 	snop  }
0x98: {  	[tilespmem:s28], [sflag:$0x2] =	stream.indirect.gather [hbm4b:s0+s26], $0x80, s26, s26, $0xb8;
	v63 =	vld [tilespmem:$0x0]  }
0x99: {  	s29 =	simm.s32 $0x100  }
0x9a: {  	[tilespmem:s30], [sflag:$0x3] =	stream.indirect.gather [hbm4b:s0+s26], $0x80, s29, s26, $0xb8;
	v63 =	vld [tilespmem:$0x0]  }
0x9b: {  	_ =	swait.ge [sflag:s31], $0x2000  }
0x9c: {  	[sflag:s31] =	ssyncset.done $0x0  }
0x9d: {  	s6 =	simm.s32 $0x140;
	[sflag:s31] =	ssyncadd.s32 $0xFFFFE000  }
0x9e: {  	[tilespmem:s1], [sflag:$0x4] =	stream.indirect.gather [hbm4b:s0+s26], $0x80, s6, s26, $0xb8;
	v63 =	vld [tilespmem:$0x0]  }
0x9f: {  	s7 =	simm.s32 $0x80  }
0xa0: {  	[spmem:s2] =	stream.indirect.scatter.add.f32 [tilespmem:s22], [sflag:$0x5], $0x80, s7, s26, $0xb8;
	v63 =	vld [tilespmem:$0x0]  }
0xa1: {  	_ =	swait.ge [sflag:s23], $0x2000  }
0xa2: {  	[sflag:s23] =	ssyncset.done $0x0  }
0xa3: {  	[sflag:s23] =	ssyncadd.s32 $0xFFFFE000  }
0xa4: {  	_ =	swait.ge [sflag:s4], $0x2000  }
0xa5: {  	[sflag:s4] =	ssyncset.done $0x0  }
0xa6: {  	s16 =	simm.s32 $0x200;
	[sflag:s4] =	ssyncadd.s32 $0xFFFFE000  }
0xa7: {  	[tilespmem:s22], [sflag:$0x1] =	stream.indirect.gather [hbm4b:s0+s26], $0x80, s16, s26, $0xb8;
	v63 =	vld [tilespmem:$0x0]  }
0xa8: {  	s29 =	simm.s32 $0xC0  }
0xa9: {  	[spmem:s2] =	stream.indirect.scatter.add.f32 [tilespmem:s28], [sflag:$0x5], $0x80, s29, s26, $0xb8;
	v63 =	vld [tilespmem:$0x0]  }
0xaa: {  	_ =	swait.ge [sflag:s23], $0x2000  }
0xab: {  	[sflag:s23] =	ssyncset.done $0x0  }
0xac: {  	[sflag:s23] =	ssyncadd.s32 $0xFFFFE000  }
0xad: {  	_ =	swait.ge [sflag:s17], $0x2000  }
0xae: {  	[sflag:s17] =	ssyncset.done $0x0  }
0xaf: {  	s6 =	simm.s32 $0x240;
	[sflag:s17] =	ssyncadd.s32 $0xFFFFE000  }
0xb0: {  	[tilespmem:s28], [sflag:$0x2] =	stream.indirect.gather [hbm4b:s0+s26], $0x80, s6, s26, $0xb8;
	v63 =	vld [tilespmem:$0x0]  }
0xb1: {  	s7 =	simm.s32 $0x180  }
0xb2: {  	[spmem:s2] =	stream.indirect.scatter.add.f32 [tilespmem:s30], [sflag:$0x5], $0x80, s7, s26, $0xb8;
	v63 =	vld [tilespmem:$0x0]  }
0xb3: {  	_ =	swait.ge [sflag:s23], $0x2000  }
0xb4: {  	[sflag:s23] =	ssyncset.done $0x0  }
0xb5: {  	[sflag:s23] =	ssyncadd.s32 $0xFFFFE000  }
0xb6: {  	_ =	swait.ge [sflag:s18], $0x2000  }
0xb7: {  	[sflag:s18] =	ssyncset.done $0x0  }
0xb8: {  	s16 =	simm.s32 $0x300;
	[sflag:s18] =	ssyncadd.s32 $0xFFFFE000  }
0xb9: {  	[tilespmem:s30], [sflag:$0x3] =	stream.indirect.gather [hbm4b:s0+s26], $0x80, s16, s26, $0xb8;
	v63 =	vld [tilespmem:$0x0]  }
0xba: {  	s29 =	simm.s32 $0x1C0  }
0xbb: {  	[spmem:s2] =	stream.indirect.scatter.add.f32 [tilespmem:s1], [sflag:$0x5], $0x80, s29, s26, $0xb8;
	v63 =	vld [tilespmem:$0x0]  }
0xbc: {  	_ =	swait.ge [sflag:s23], $0x2000  }
0xbd: {  	s16 =	simm.s32 $0x800;
	[sflag:s23] =	ssyncset.done $0x0  }
.LBB2_5:
0xbe: {  	p3 =	sne.s32 s16, $0xF000  }
0xbf: {  	[sflag:s23] =	ssyncadd.s32 $0xFFFFE000;
	s3 =	smov.u32 s16;
	s16 =	sadd.s32 $0x800, s16  }
0xc0: {  	_ = 	snop  }
0xc1: {  	_ =	swait.ge [sflag:s31], $0x2000  }
0xc2: {  	s3 =	sshra.s32 s3, $0x2;
	[sflag:s31] =	ssyncset.done $0x0  }
0xc3: {  	s6 =	sadd.s32 $0x140, s3;
	[sflag:s31] =	ssyncadd.s32 $0xFFFFE000  }
0xc4: {  	[tilespmem:s1], [sflag:$0x4] =	stream.indirect.gather [hbm4b:s0+s26], $0x80, s6, s26, $0xb8;
	v63 =	vld [tilespmem:$0x0]  }
0xc5: {  	s6 =	sadd.s32 $0x80, s3  }
0xc6: {  	[spmem:s2] =	stream.indirect.scatter.add.f32 [tilespmem:s22], [sflag:$0x5], $0x80, s6, s26, $0xb8;
	v63 =	vld [tilespmem:$0x0]  }
0xc7: {  	_ =	swait.ge [sflag:s23], $0x2000  }
0xc8: {  	[sflag:s23] =	ssyncset.done $0x0  }
0xc9: {  	[sflag:s23] =	ssyncadd.s32 $0xFFFFE000  }
0xca: {  	_ =	swait.ge [sflag:s4], $0x2000  }
0xcb: {  	[sflag:s4] =	ssyncset.done $0x0  }
0xcc: {  	s6 =	sadd.s32 $0x200, s3;
	[sflag:s4] =	ssyncadd.s32 $0xFFFFE000  }
0xcd: {  	[tilespmem:s22], [sflag:$0x1] =	stream.indirect.gather [hbm4b:s0+s26], $0x80, s6, s26, $0xb8;
	v63 =	vld [tilespmem:$0x0]  }
0xce: {  	s6 =	sadd.s32 $0xC0, s3  }
0xcf: {  	[spmem:s2] =	stream.indirect.scatter.add.f32 [tilespmem:s28], [sflag:$0x5], $0x80, s6, s26, $0xb8;
	v63 =	vld [tilespmem:$0x0]  }
0xd0: {  	_ =	swait.ge [sflag:s23], $0x2000  }
0xd1: {  	[sflag:s23] =	ssyncset.done $0x0  }
0xd2: {  	[sflag:s23] =	ssyncadd.s32 $0xFFFFE000  }
0xd3: {  	_ =	swait.ge [sflag:s17], $0x2000  }
0xd4: {  	[sflag:s17] =	ssyncset.done $0x0  }
0xd5: {  	s6 =	sadd.s32 $0x240, s3;
	[sflag:s17] =	ssyncadd.s32 $0xFFFFE000  }
0xd6: {  	[tilespmem:s28], [sflag:$0x2] =	stream.indirect.gather [hbm4b:s0+s26], $0x80, s6, s26, $0xb8;
	v63 =	vld [tilespmem:$0x0]  }
0xd7: {  	s6 =	sadd.s32 $0x180, s3  }
0xd8: {  	[spmem:s2] =	stream.indirect.scatter.add.f32 [tilespmem:s30], [sflag:$0x5], $0x80, s6, s26, $0xb8;
	v63 =	vld [tilespmem:$0x0]  }
0xd9: {  	_ =	swait.ge [sflag:s23], $0x2000  }
0xda: {  	[sflag:s23] =	ssyncset.done $0x0  }
0xdb: {  	[sflag:s23] =	ssyncadd.s32 $0xFFFFE000  }
0xdc: {  	_ =	swait.ge [sflag:s18], $0x2000  }
0xdd: {  	[sflag:s18] =	ssyncset.done $0x0  }
0xde: {  	s6 =	sadd.s32 $0x300, s3;
	[sflag:s18] =	ssyncadd.s32 $0xFFFFE000  }
0xdf: {  	[tilespmem:s30], [sflag:$0x3] =	stream.indirect.gather [hbm4b:s0+s26], $0x80, s6, s26, $0xb8;
	v63 =	vld [tilespmem:$0x0]  }
.Ltmp7:
0xe0: {  	_ = 	snop;
	(pc) =	sbr.rel @p3 .LBB2_5-.Ltmp7, $4  }
0xe1: {  	s3 =	sadd.s32 $0x1C0, s3  }
0xe2: {  	[spmem:s2] =	stream.indirect.scatter.add.f32 [tilespmem:s1], [sflag:$0x5], $0x80, s3, s26, $0xb8;
	v63 =	vld [tilespmem:$0x0]  }
0xe3: {  	_ =	swait.ge [sflag:s23], $0x2000  }
0xe4: {  	[sflag:s23] =	ssyncset.done $0x0  }
0xe5: {  	[sflag:s23] =	ssyncadd.s32 $0xFFFFE000  }
0xe6: {  	_ =	swait.ge [sflag:s31], $0x2000  }
0xe7: {  	[sflag:s31] =	ssyncset.done $0x0  }
0xe8: {  	s3 =	simm.s32 $0x3F40;
	[sflag:s31] =	ssyncadd.s32 $0xFFFFE000  }
0xe9: {  	[tilespmem:s1], [sflag:$0x4] =	stream.indirect.gather [hbm4b:s0+s26], $0x80, s3, s26, $0xb8;
	v63 =	vld [tilespmem:$0x0]  }
0xea: {  	s29 =	simm.s32 $0x3E80  }
0xeb: {  	[spmem:s2] =	stream.indirect.scatter.add.f32 [tilespmem:s22], [sflag:$0x5], $0x80, s29, s26, $0xb8;
	v63 =	vld [tilespmem:$0x0]  }
0xec: {  	_ =	swait.ge [sflag:s23], $0x2000  }
0xed: {  	[sflag:s23] =	ssyncset.done $0x0  }
0xee: {  	[sflag:s23] =	ssyncadd.s32 $0xFFFFE000  }
0xef: {  	_ =	swait.ge [sflag:s4], $0x2000  }
0xf0: {  	[sflag:s4] =	ssyncset.done $0x0  }
0xf1: {  	s6 =	simm.s32 $0x3EC0;
	[sflag:s4] =	ssyncadd.s32 $0xFFFFE000  }
0xf2: {  	[spmem:s2] =	stream.indirect.scatter.add.f32 [tilespmem:s28], [sflag:$0x5], $0x80, s6, s26, $0xb8;
	v63 =	vld [tilespmem:$0x0]  }
0xf3: {  	_ =	swait.ge [sflag:s23], $0x2000  }
0xf4: {  	[sflag:s23] =	ssyncset.done $0x0  }
0xf5: {  	[sflag:s23] =	ssyncadd.s32 $0xFFFFE000  }
0xf6: {  	_ =	swait.ge [sflag:s17], $0x2000  }
0xf7: {  	[sflag:s17] =	ssyncset.done $0x0  }
0xf8: {  	s7 =	simm.s32 $0x3F80;
	[sflag:s17] =	ssyncadd.s32 $0xFFFFE000  }
0xf9: {  	[spmem:s2] =	stream.indirect.scatter.add.f32 [tilespmem:s30], [sflag:$0x5], $0x80, s7, s26, $0xb8;
	v63 =	vld [tilespmem:$0x0]  }
0xfa: {  	_ =	swait.ge [sflag:s23], $0x2000  }
0xfb: {  	[sflag:s23] =	ssyncset.done $0x0  }
0xfc: {  	[sflag:s23] =	ssyncadd.s32 $0xFFFFE000  }
0xfd: {  	_ =	swait.ge [sflag:s18], $0x2000  }
0xfe: {  	[sflag:s18] =	ssyncset.done $0x0  }
0xff: {  	s16 =	simm.s32 $0x3FC0;
	[sflag:s18] =	ssyncadd.s32 $0xFFFFE000  }
0x100: {  	[spmem:s2] =	stream.indirect.scatter.add.f32 [tilespmem:s1], [sflag:$0x5], $0x80, s16, s26, $0xb8;
	v63 =	vld [tilespmem:$0x0]  }
0x101: {  	_ =	swait.ge [sflag:s23], $0x2000  }
0x102: {  	[sflag:s23] =	ssyncset.done $0x0  }
0x103: {  	s3 =	simm.s32 $0x0;
	s6 =	rddreg [dreg:$0x8];
	[sflag:s23] =	ssyncadd.s32 $0xFFFFE000  }
0x104: {  	[tilespmem:s3], [sflag:$0x5] =	stream.linear.gather [hbm4b:s6+s3], $0x3800, $0x38;
	v63 =	vld [tilespmem:$0x0]  }
0x105: {  	_ =	swait.ge [sflag:s23], $0x3800  }
0x106: {  	[sflag:s23] =	ssyncset.done $0x0  }
0x107: {  	[sflag:s23] =	ssyncadd.s32 $0xFFFFC800  }
0x108: {  	[tilespmem:s22], [sflag:$0x1] =	stream.indirect.gather [hbm4b:s0+s26], $0x80, s3, s26, $0xb8;
	v63 =	vld [tilespmem:$0x0]  }
0x109: {  	_ = 	snop  }
0x10a: {  	[tilespmem:s28], [sflag:$0x2] =	stream.indirect.gather [hbm4b:s0+s26], $0x80, s26, s26, $0xb8;
	v63 =	vld [tilespmem:$0x0]  }
0x10b: {  	s29 =	simm.s32 $0x100  }
0x10c: {  	[tilespmem:s30], [sflag:$0x3] =	stream.indirect.gather [hbm4b:s0+s26], $0x80, s29, s26, $0xb8;
	v63 =	vld [tilespmem:$0x0]  }
.LBB2_7:
0x10d: {  	_ =	swait.ge [sflag:s31], $0x2000  }
0x10e: {  	s6 =	sshra.s32 s3, $0x2;
	[sflag:s31] =	ssyncset.done $0x0  }
0x10f: {  	s7 =	sadd.s32 $0x140, s6;
	[sflag:s31] =	ssyncadd.s32 $0xFFFFE000  }
0x110: {  	[tilespmem:s1], [sflag:$0x4] =	stream.indirect.gather [hbm4b:s0+s26], $0x80, s7, s26, $0xb8;
	v63 =	vld [tilespmem:$0x0]  }
0x111: {  	s16 =	sadd.s32 $0x80, s6  }
0x112: {  	[spmem:s2] =	stream.indirect.scatter.add.f32 [tilespmem:s22], [sflag:$0x5], $0x80, s16, s26, $0xb8;
	v63 =	vld [tilespmem:$0x0]  }
0x113: {  	_ =	swait.ge [sflag:s23], $0x2000  }
0x114: {  	[sflag:s23] =	ssyncset.done $0x0  }
0x115: {  	[sflag:s23] =	ssyncadd.s32 $0xFFFFE000  }
0x116: {  	_ =	swait.ge [sflag:s4], $0x2000  }
0x117: {  	[sflag:s4] =	ssyncset.done $0x0  }
0x118: {  	s29 =	sadd.s32 $0x200, s6;
	[sflag:s4] =	ssyncadd.s32 $0xFFFFE000  }
0x119: {  	[tilespmem:s22], [sflag:$0x1] =	stream.indirect.gather [hbm4b:s0+s26], $0x80, s29, s26, $0xb8;
	v63 =	vld [tilespmem:$0x0]  }
0x11a: {  	s16 =	sadd.s32 $0xC0, s6  }
0x11b: {  	[spmem:s2] =	stream.indirect.scatter.add.f32 [tilespmem:s28], [sflag:$0x5], $0x80, s16, s26, $0xb8;
	v63 =	vld [tilespmem:$0x0]  }
0x11c: {  	_ =	swait.ge [sflag:s23], $0x2000  }
0x11d: {  	[sflag:s23] =	ssyncset.done $0x0  }
0x11e: {  	[sflag:s23] =	ssyncadd.s32 $0xFFFFE000  }
0x11f: {  	_ =	swait.ge [sflag:s17], $0x2000  }
0x120: {  	[sflag:s17] =	ssyncset.done $0x0  }
0x121: {  	s29 =	sadd.s32 $0x240, s6;
	[sflag:s17] =	ssyncadd.s32 $0xFFFFE000  }
0x122: {  	[tilespmem:s28], [sflag:$0x2] =	stream.indirect.gather [hbm4b:s0+s26], $0x80, s29, s26, $0xb8;
	v63 =	vld [tilespmem:$0x0]  }
0x123: {  	s16 =	sadd.s32 $0x180, s6  }
0x124: {  	[spmem:s2] =	stream.indirect.scatter.add.f32 [tilespmem:s30], [sflag:$0x5], $0x80, s16, s26, $0xb8;
	v63 =	vld [tilespmem:$0x0]  }
0x125: {  	_ =	swait.ge [sflag:s23], $0x2000  }
0x126: {  	[sflag:s23] =	ssyncset.done $0x0  }
0x127: {  	[sflag:s23] =	ssyncadd.s32 $0xFFFFE000  }
0x128: {  	_ =	swait.ge [sflag:s18], $0x2000  }
0x129: {  	[sflag:s18] =	ssyncset.done $0x0  }
0x12a: {  	p3 =	seq.s32 s3, $0xD000;
	s29 =	sadd.s32 $0x300, s6;
	[sflag:s18] =	ssyncadd.s32 $0xFFFFE000  }
0x12b: {  	[tilespmem:s30], [sflag:$0x3] =	stream.indirect.gather [hbm4b:s0+s26], $0x80, s29, s26, $0xb8;
	v63 =	vld [tilespmem:$0x0]  }
.Ltmp8:
0x12c: {  	s6 =	sadd.s32 $0x1C0, s6;
	(pc) =	sbr.rel @!p3 .LBB2_7-.Ltmp8, $4  }
0x12d: {  	[spmem:s2] =	stream.indirect.scatter.add.f32 [tilespmem:s1], [sflag:$0x5], $0x80, s6, s26, $0xb8;
	v63 =	vld [tilespmem:$0x0]  }
0x12e: {  	_ =	swait.ge [sflag:s23], $0x2000  }
0x12f: {  	[sflag:s23] =	ssyncset.done $0x0  }
0x130: {  	s3 =	sadd.s32 $0x800, s3;
	[sflag:s23] =	ssyncadd.s32 $0xFFFFE000  }
.Ltmp9:
0x131: {  	(pc) =	sbr.rel .LBB2_16-.Ltmp9, $3  }
0x132: {  	_ =	sdelay $0x1  }
0x133: {  	s3 =	simm.s32 $0x37C0;
	s16 =	simm.s32 $0x3780  }
0x134: {  	s29 =	simm.s32 $0x36C0;
	s6 =	simm.s32 $0x3680;
	s7 =	simm.s32 $0x3740  }
.LBB2_10:
0x135: {  	s6 =	rddreg [dreg:$0x9]  }
0x136: {  	[tilespmem:s3], [sflag:$0x5] =	stream.linear.gather [hbm4b:s6+s3], $0x2600, $0x38;
	v63 =	vld [tilespmem:$0x0]  }
0x137: {  	_ =	swait.ge [sflag:s23], $0x2600  }
0x138: {  	[sflag:s23] =	ssyncset.done $0x0  }
0x139: {  	[sflag:s23] =	ssyncadd.s32 $0xFFFFDA00  }
.LBB2_13:
0x13a: {  	s3 =	simm.s32 $0x0  }
0x13b: {  	[tilespmem:s22], [sflag:$0x1] =	stream.indirect.gather [hbm4b:s0+s26], $0x80, s3, s26, $0xb8;
	v63 =	vld [tilespmem:$0x0]  }
0x13c: {  	_ = 	snop  }
0x13d: {  	[tilespmem:s28], [sflag:$0x2] =	stream.indirect.gather [hbm4b:s0+s26], $0x80, s26, s26, $0xb8;
	v63 =	vld [tilespmem:$0x0]  }
0x13e: {  	s6 =	simm.s32 $0x100  }
0x13f: {  	[tilespmem:s30], [sflag:$0x3] =	stream.indirect.gather [hbm4b:s0+s26], $0x80, s6, s26, $0xb8;
	v63 =	vld [tilespmem:$0x0]  }
.LBB2_14:
0x140: {  	_ =	swait.ge [sflag:s31], $0x2000  }
0x141: {  	s6 =	sshra.s32 s3, $0x2;
	[sflag:s31] =	ssyncset.done $0x0  }
0x142: {  	s7 =	sadd.s32 $0x140, s6;
	[sflag:s31] =	ssyncadd.s32 $0xFFFFE000  }
0x143: {  	[tilespmem:s1], [sflag:$0x4] =	stream.indirect.gather [hbm4b:s0+s26], $0x80, s7, s26, $0xb8;
	v63 =	vld [tilespmem:$0x0]  }
0x144: {  	s16 =	sadd.s32 $0x80, s6  }
0x145: {  	[spmem:s2] =	stream.indirect.scatter.add.f32 [tilespmem:s22], [sflag:$0x5], $0x80, s16, s26, $0xb8;
	v63 =	vld [tilespmem:$0x0]  }
0x146: {  	_ =	swait.ge [sflag:s23], $0x2000  }
0x147: {  	[sflag:s23] =	ssyncset.done $0x0  }
0x148: {  	[sflag:s23] =	ssyncadd.s32 $0xFFFFE000  }
0x149: {  	_ =	swait.ge [sflag:s4], $0x2000  }
0x14a: {  	[sflag:s4] =	ssyncset.done $0x0  }
0x14b: {  	s29 =	sadd.s32 $0x200, s6;
	[sflag:s4] =	ssyncadd.s32 $0xFFFFE000  }
0x14c: {  	[tilespmem:s22], [sflag:$0x1] =	stream.indirect.gather [hbm4b:s0+s26], $0x80, s29, s26, $0xb8;
	v63 =	vld [tilespmem:$0x0]  }
0x14d: {  	s16 =	sadd.s32 $0xC0, s6  }
0x14e: {  	[spmem:s2] =	stream.indirect.scatter.add.f32 [tilespmem:s28], [sflag:$0x5], $0x80, s16, s26, $0xb8;
	v63 =	vld [tilespmem:$0x0]  }
0x14f: {  	_ =	swait.ge [sflag:s23], $0x2000  }
0x150: {  	[sflag:s23] =	ssyncset.done $0x0  }
0x151: {  	[sflag:s23] =	ssyncadd.s32 $0xFFFFE000  }
0x152: {  	_ =	swait.ge [sflag:s17], $0x2000  }
0x153: {  	[sflag:s17] =	ssyncset.done $0x0  }
0x154: {  	s29 =	sadd.s32 $0x240, s6;
	[sflag:s17] =	ssyncadd.s32 $0xFFFFE000  }
0x155: {  	[tilespmem:s28], [sflag:$0x2] =	stream.indirect.gather [hbm4b:s0+s26], $0x80, s29, s26, $0xb8;
	v63 =	vld [tilespmem:$0x0]  }
0x156: {  	s16 =	sadd.s32 $0x180, s6  }
0x157: {  	[spmem:s2] =	stream.indirect.scatter.add.f32 [tilespmem:s30], [sflag:$0x5], $0x80, s16, s26, $0xb8;
	v63 =	vld [tilespmem:$0x0]  }
0x158: {  	_ =	swait.ge [sflag:s23], $0x2000  }
0x159: {  	[sflag:s23] =	ssyncset.done $0x0  }
0x15a: {  	[sflag:s23] =	ssyncadd.s32 $0xFFFFE000  }
0x15b: {  	_ =	swait.ge [sflag:s18], $0x2000  }
0x15c: {  	[sflag:s18] =	ssyncset.done $0x0  }
0x15d: {  	p3 =	sne.s32 s3, $0x8800;
	s29 =	sadd.s32 $0x300, s6;
	[sflag:s18] =	ssyncadd.s32 $0xFFFFE000  }
0x15e: {  	[tilespmem:s30], [sflag:$0x3] =	stream.indirect.gather [hbm4b:s0+s26], $0x80, s29, s26, $0xb8;
	v63 =	vld [tilespmem:$0x0]  }
.Ltmp10:
0x15f: {  	s6 =	sadd.s32 $0x1C0, s6;
	(pc) =	sbr.rel @p3 .LBB2_14-.Ltmp10, $4  }
0x160: {  	[spmem:s2] =	stream.indirect.scatter.add.f32 [tilespmem:s1], [sflag:$0x5], $0x80, s6, s26, $0xb8;
	v63 =	vld [tilespmem:$0x0]  }
0x161: {  	_ =	swait.ge [sflag:s23], $0x2000  }
0x162: {  	[sflag:s23] =	ssyncset.done $0x0  }
0x163: {  	s3 =	sadd.s32 $0x800, s3;
	[sflag:s23] =	ssyncadd.s32 $0xFFFFE000  }
.Ltmp11:
0x164: {  	(pc) =	sbr.rel .LBB2_16-.Ltmp11, $3  }
0x165: {  	_ =	sdelay $0x1  }
0x166: {  	s3 =	simm.s32 $0x25C0;
	s16 =	simm.s32 $0x2580  }
0x167: {  	s29 =	simm.s32 $0x24C0;
	s6 =	simm.s32 $0x2480;
	s7 =	simm.s32 $0x2540  }
.LBB2_17:
0x168: {  	_ =	sfence.sel $0x180000  }
0x169: {  	[bflag:$0x0] =	sbarrier.arrive $0xFFFF  }
0x16a: {  	_ =	strace $0x9000004A  }
0x16b: {  	[bflag:$0x2] =	sbarrier.arrive $0xFFFF  }
0x16c: {  	s0 =	rddreg [dreg:$0x4]  }
0x16d: {  	s0 =	sadd.s32 @!p1 $0x100000, s0  }
0x16e: {  	[sflag:s0] =	ssyncadd.tile.s32 @!p1 $0x1;
	_ =	shalt  }
.Lfunc_end2:
_tile_overlayer_lowered:
.L_overlay_start_2:
0x16f: {  	(tag) =	ssettag $0x2  }
0x170: {  	s0 =	rddreg [dreg:$0x0];
	s2 =	stileid.u32  }
0x171: {  	s1 =	rddreg [dreg:$0x1];
	p0 =	sne.s32 s2, $0x0  }
0x172: {  	s3 =	rddreg [dreg:$0x2];
	[bflag:$0x3] =	sbarrier.arrive $0xFFFF;
	s2 =	simm.s32 @!p0 $0x1C05  }
0x173: {  	[timem:s3], [sflag:s2] =	dma.local @!p0 [hbm:s0], s1  }
0x174: {  	s0 =	simm.s32 @!p0 $0x5  }
0x175: {  	_ =	swait.ge @!p0 [sflag:s0], s1  }
0x176: {  	s1 =	ssub.s32 @!p0 $0x0, s1;
	[sflag:s0] =	ssyncset.done @!p0 $0x0  }
0x177: {  	[sflag:s0] =	ssyncadd.s32 @!p0 s1  }
0x178: {  	[bflag:$0x3] =	sbarrier.arrive $0xFFFF  }
0x179: {  	_ =	shalt  }

// kernel: kernel.7.cloned.1.call-start
scs
__scs_entry_jumppad:
0x0: {  	(pc) =	sbr.rel $0x88, $3  }
0x1: {  	(tag) =	ssettag $0x0;
	lr =	simm.s32 $0x1  }
0x2: {  	[smem:$0x3F9D] =	sst lr;
	_ =	strace $0xD0000000  }
0x3: {  	_ = 	snop  }
0x4: {  	_ = 	snop  }
0x5: {  	_ = 	snop  }
0x6: {  	_ = 	snop  }
0x7: {  	_ = 	snop  }
__scs_overlays_trampoline_lowered:
0x8: {  	[smem:$0x3FAC] =	sst s0  }
0x9: {  	[smem:$0x3FAD] =	sst s1  }
0xa: {  	[smem:$0x3FAE] =	sst s2  }
0xb: {  	[smem:$0x3FAF] =	sst s3  }
0xc: {  	[smem:$0x3FB0] =	sst s4  }
0xd: {  	[smem:$0x3FB1] =	sst s5  }
0xe: {  	[smem:$0x3FB2] =	sst s6  }
0xf: {  	[smem:$0x3FB3] =	sst s7  }
0x10: {  	[smem:$0x3FB4] =	sst s8  }
0x11: {  	[smem:$0x3FB5] =	sst s9;
	s0 =	simm.s32 @!p0 $0x0  }
0x12: {  	s1 =	sld [smem:$0x3F9B];
	s0 =	simm.s32 @p0 $0x1  }
0x13: {  	[smem:$0x3FB6] =	sst s0;
	s0 =	simm.s32 @!p1 $0x0  }
0x14: {  	s2 =	sld [smem:$0x3F9A];
	s0 =	simm.s32 @p1 $0x1  }
0x15: {  	[smem:$0x3FB7] =	sst s0;
	s0 =	simm.s32 @!p2 $0x0  }
0x16: {  	s3 =	sld [smem:$0x3FDB];
	s0 =	simm.s32 @p2 $0x1  }
0x17: {  	s4 =	simm.s32 $0x1BF5;
	[smem:$0x3FB9] =	sst s0  }
0x18: {  	s0 =	sld [smem:$0x3F9C];
	_ =	swait.ge [sflag:s4], $0x0  }
0x19: {  	s7 =	sld [smem:$0x3F9D]  }
0x1a: {  	s8 =	sadd.s32 $0xFFFFE003, lr  }
0x1b: {  	s9 =	sadd.s32 $0xFFFFFEF7, lr;
	s5 =	simm.s32 $0xFFFFFFFF;
	p2 =	slt.u32 s8, $0xFFFFF086  }
0x1c: {  	p1 =	slt.u32 s9, $0xF7A;
	s5 =	simm.s32 @!p2 $0x0  }
0x1d: {  	s5 =	simm.s32 @p1 $0x1;
	p0 =	seq.s32 s7, s2  }
0x1e: {  	s7 =	smul.u32 @!p0 $0xF7A, s2;
	p2 =	seq.s32 @!p0 s5, $0x0  }
0x1f: {  	s9 =	smul.u32 $0xF7A, s1;
	s8 =	simm.s32 @!p0 $0x1BF5;
	p2 =	por !p2, p0  }
0x20: {  	[sflag:s8] =	ssyncset.s32 @!p0 $0xFFFFF086;
	s6 =	sadd.s32 @!p0 s3, s7;
	s7 =	simm.s32 @!p0 $0x108  }
0x21: {  	s3 =	sadd.s32 s3, s9;
	s6 =	sadd.s32 @!p0 $0x88, s6;
	s7 =	simm.s32 @p2 $0x1082  }
0x22: {  	[simem:s7], [sflag:s8] =	dma.local @!p0 [hbm:s6], $0xF7A  }
0x23: {  	s9 =	sor.u32 $0xD0000000, s2;
	s6 =	simm.s32 $0x108;
	_ =	swait.ge @!p0 [sflag:s8], $0x0  }
0x24: {  	s3 =	sadd.s32 $0x88, s3;
	s6 =	simm.s32 @!p1 $0x1082;
	[sflag:s4] =	ssyncset.s32 $0xFFFFF086  }
0x25: {  	[simem:s6], [sflag:s4] =	dma.local [hbm:s3], $0xF7A  }
0x26: {  	[smem:$0x3F9D] =	sst s1;
	(tag) =	ssettag s2;
	_ =	strace s9  }
0x27: {  	s1 =	sld [smem:$0x3FAD]  }
0x28: {  	s2 =	sld [smem:$0x3FAE]  }
0x29: {  	s4 =	sld [smem:$0x3FB0]  }
0x2a: {  	p0 =	seq.s32 s5, $0x0;
	s5 =	sld [smem:$0x3FB1]  }
0x2b: {  	s6 =	sld [smem:$0x3FB2]  }
0x2c: {  	s7 =	sld [smem:$0x3FB3]  }
0x2d: {  	s3 =	simm.s32 $0x108;
	s8 =	sld [smem:$0x3FB4]  }
0x2e: {  	s3 =	simm.s32 @!p0 $0x1082;
	s9 =	sld [smem:$0x3FB5]  }
0x2f: {  	lr =	sadd.s32 s0, s3;
	s0 =	sld [smem:$0x3FAC]  }
0x30: {  	s3 =	sld [smem:$0x3FAF]  }
0x31: {  	[smem:$0x3FB8] =	sst s10  }
0x32: {  	s10 =	sld [smem:$0x3FB6];
	_ =	sdelay $0x3  }
0x33: {  	p0 =	seq.s32 s10, $0x1;
	s10 =	sld [smem:$0x3FB8];
	_ =	sdelay $0x3  }
0x34: {  	[smem:$0x3FB8] =	sst s10  }
0x35: {  	s10 =	sld [smem:$0x3FB7];
	_ =	sdelay $0x3  }
0x36: {  	p1 =	seq.s32 s10, $0x1;
	s10 =	sld [smem:$0x3FB8];
	_ =	sdelay $0x3  }
0x37: {  	[smem:$0x3FB8] =	sst s10  }
0x38: {  	s10 =	sld [smem:$0x3FB9]  }
0x39: {  	_ = 	snop;
	(pc) =	sbr.ind lr, $3  }
0x3a: {  	_ = 	snop  }
0x3b: {  	_ = 	snop  }
0x3c: {  	p2 =	seq.s32 s10, $0x1;
	s10 =	sld [smem:$0x3FB8]  }
0x3d: {  	_ =	shalt  }
0x3e: {  	_ =	shalt  }
0x3f: {  	_ =	shalt  }
0x40: {  	_ =	shalt  }
0x41: {  	_ =	shalt  }
0x42: {  	_ =	shalt  }
0x43: {  	_ =	shalt  }
0x44: {  	_ =	shalt  }
0x45: {  	_ =	shalt  }
0x46: {  	_ =	shalt  }
0x47: {  	_ =	shalt  }
0x48: {  	_ =	shalt  }
0x49: {  	_ =	shalt  }
0x4a: {  	_ =	shalt  }
0x4b: {  	_ =	shalt  }
0x4c: {  	_ =	shalt  }
0x4d: {  	_ =	shalt  }
0x4e: {  	_ =	shalt  }
0x4f: {  	_ =	shalt  }
0x50: {  	_ =	shalt  }
0x51: {  	_ =	shalt  }
0x52: {  	_ =	shalt  }
0x53: {  	_ =	shalt  }
0x54: {  	_ =	shalt  }
0x55: {  	_ =	shalt  }
0x56: {  	_ =	shalt  }
0x57: {  	_ =	shalt  }
0x58: {  	_ =	shalt  }
0x59: {  	_ =	shalt  }
0x5a: {  	_ =	shalt  }
0x5b: {  	_ =	shalt  }
0x5c: {  	_ =	shalt  }
0x5d: {  	_ =	shalt  }
0x5e: {  	_ =	shalt  }
0x5f: {  	_ =	shalt  }
0x60: {  	_ =	shalt  }
0x61: {  	_ =	shalt  }
0x62: {  	_ =	shalt  }
0x63: {  	_ =	shalt  }
0x64: {  	_ =	shalt  }
0x65: {  	_ =	shalt  }
0x66: {  	_ =	shalt  }
0x67: {  	_ =	shalt  }
0x68: {  	_ =	shalt  }
0x69: {  	_ =	shalt  }
0x6a: {  	_ =	shalt  }
0x6b: {  	_ =	shalt  }
0x6c: {  	_ =	shalt  }
0x6d: {  	_ =	shalt  }
0x6e: {  	_ =	shalt  }
0x6f: {  	_ =	shalt  }
0x70: {  	_ =	shalt  }
0x71: {  	_ =	shalt  }
0x72: {  	_ =	shalt  }
0x73: {  	_ =	shalt  }
0x74: {  	_ =	shalt  }
0x75: {  	_ =	shalt  }
0x76: {  	_ =	shalt  }
0x77: {  	_ =	shalt  }
0x78: {  	_ =	shalt  }
0x79: {  	_ =	shalt  }
0x7a: {  	_ =	shalt  }
0x7b: {  	_ =	shalt  }
0x7c: {  	_ =	shalt  }
0x7d: {  	_ =	shalt  }
0x7e: {  	_ =	shalt  }
0x7f: {  	_ =	shalt  }
0x80: {  	_ =	shalt  }
0x81: {  	_ =	shalt  }
0x82: {  	_ =	shalt  }
0x83: {  	_ =	shalt  }
0x84: {  	_ =	shalt  }
0x85: {  	_ =	shalt  }
0x86: {  	_ =	shalt  }
0x87: {  	_ =	shalt  }
.Lfunc_end0:
.L_simem_size_0:
called_computation_lowered:
.L_overlay_start_0:
0x88: {  	s2 =	sld [smem:$0x3FD9]  }
0x89: {  	s3 =	sld [smem:$0x3FFE];
	_ =	sdelay $0x1  }
0x8a: {  	s1 =	srdreg.scid  }
0x8b: {  	s0 =	sand.u32 $0x1, s1  }
0x8c: {  	s15 =	sshll.u32 s0, $0xA;
	s2 =	sadd.s32 s3, s2  }
0x8d: {  	s2 =	sadd.s32 s2, s15  }
0x8e: {  	[smem:$0x3FC4] =	sst s2  }
0x8f: {  	_ = 	snop  }
0x90: {  	s2 =	sld [smem:$0x3FD0];
	_ =	sdelay $0x2  }
0x91: {  	s4 =	simm.s32 $0xA;
	s5 =	simm.s32 $0x10;
	s16 =	sld [smem:$0x3FC8]  }
0x92: {  	[smem:s5], [sflag:s4] =	dma.local [hbm:s2], $0x1  }
0x93: {  	_ =	swait.eq [sflag:s4], $0x1  }
0x94: {  	[sflag:s4] =	ssyncset.done $0x0  }
0x95: {  	[sflag:s4] =	ssyncadd.s32 $0xFFFFFFFF  }
0x96: {  	s17 =	sld [smem:$0x10];
	(tm) =	ssettm $0x1  }
0x97: {  	s18 =	sld [smem:$0x3FFB];
	_ =	sdelay $0x3  }
0x98: {  	_ =	strace s18  }
0x99: {  	s4 =	sld [smem:$0x3FFC];
	_ =	sdelay $0x3  }
0x9a: {  	_ =	strace s4  }
0x9b: {  	s4 =	sld [smem:$0x3FFD];
	_ =	sdelay $0x3  }
0x9c: {  	_ =	strace s4  }
0x9d: {  	_ =	strace $0x8FFFFFFF  }
0x9e: {  	s19 =	sld [smem:$0x3FDB];
	_ =	sdelay $0x1  }
0x9f: {  	s20 =	simm.s32 $_scs_section_size  }
0xa0: {  	s6 =	simm.s32 $_size__tile_overlayer_lowered;
	s7 =	simm.s32 $_tile_overlayer_lowered  }
0xa1: {  	s23 =	simm.s32 $0x1BFF;
	s22 =	sshll.u32 s7, $0x1;
	s4 =	sadd.s32 s20, s19  }
0xa2: {  	s8 =	simm.s32 $0x0;
	s21 =	sshll.u32 s6, $0x1;
	s6 =	sadd.s32 s22, s4  }
0xa3: {  	[timem:s8], [sflag:s23] =	dma.local [hbm:s6], s21  }
0xa4: {  	_ =	swait.ge [sflag:s23], s21  }
0xa5: {  	s5 =	ssub.s32 $0x0, s21;
	[sflag:s23] =	ssyncset.done $0x0  }
0xa6: {  	[sflag:s23] =	ssyncadd.s32 s5;
	_ =	sdelay $0x1  }
0xa7: {  	s24 =	simm.s32 $0x1B8B  }
0xa8: {  	_ =	swait.ge [sflag:s24], $0x1  }
0xa9: {  	[sflag:s24] =	ssyncset.done $0x0  }
0xaa: {  	s25 =	simm.s32 $0x1B8E;
	[sflag:s24] =	ssyncadd.s32 $0xFFFFFFFF  }
0xab: {  	s26 =	simm.s32 $execute0_lowered;
	[smem:$0x3FD2] =	sst s25  }
0xac: {  	s5 =	sshll.u32 s26, $0x1;
	_ =	strace $0x80000046;
	[dreg:$0x1] =	wrdreg $0xFFFFFFFF  }
0xad: {  	s28 =	simm.s32 $_size_execute0_lowered;
	s4 =	sadd.s32 s4, s5;
	[dreg:$0x0] =	wrdreg $0x0  }
0xae: {  	s5 =	sshll.u32 s28, $0x1;
	[dreg:$0x2] =	wrdreg s4  }
0xaf: {  	[dreg:$0x3] =	wrdreg s5  }
0xb0: {  	[dreg:$0x4] =	wrdreg $0xC0  }
0xb1: {  	_ =	task [dreg:s8], $0x5FFFF  }
0xb2: {  	[dreg:$0x1] =	wrdreg $0xFFFFFFFF  }
0xb3: {  	[dreg:$0x0] =	wrdreg $0x60  }
0xb4: {  	[dreg:$0x2] =	wrdreg s16  }
0xb5: {  	[dreg:$0x3] =	wrdreg s17  }
0xb6: {  	[dreg:$0x4] =	wrdreg $0x9  }
0xb7: {  	_ =	task.clear_ibuf [dreg:s8], $0x5FFFF;
	_ =	strace $0x90000046  }
0xb8: {  	s29 =	simm.s32 $0x9;
	_ =	strace $0x80000048  }
0xb9: {  	_ =	swait.ge [sflag:s29], $0x1  }
0xba: {  	[sflag:s29] =	ssyncadd.s32 $0xFFFFFFFF  }
0xbb: {  	_ =	strace $0x90000048  }
0xbc: {  	_ =	sfence  }
0xbd: {  	s30 =	sld [smem:$0x0];
	_ =	sdelay $0x2  }
0xbe: {  	s31 =	sshll.u32 s1, $0xD;
	s1 =	sshrl.u32 s1, $0x2  }
0xbf: {  	s3 =	sand.u32 $0x4000, s31;
	s1 =	sadd.s32 s1, s30  }
0xc0: {  	s0 =	sor.u32 s3, s0;
	s1 =	sshll.u32 s1, $0x11  }
0xc1: {  	s0 =	sor.u32 s1, s0  }
0xc2: {  	s0 =	sadd.s32 $0x8F2B, s0  }
0xc3: {  	[sflag:s0] =	ssyncadd.remote.s32 $0x1  }
0xc4: {  	_ =	sfence.sel $0xFFFF  }
0xc5: {  	[dreg:$0x0] =	wrdreg $0xFFFFFFFF;
	(pc) =	sbr.abs _section_cstart, $3  }
0xc6: {  	[dreg:$0x1] =	wrdreg $0xFFFFFFFF  }
0xc7: {  	_ =	task.clear_ibuf [dreg:s8], $0x2FFFF;
	_ =	strace $0x9FFFFFFF  }
0xc8: {  	(tm) =	ssettm $0x7FFFFFFF  }
0xc9: {  	_ =	shalt  }
tec
execute0_lowered:
.L_overlay_start_1:
0x0: {  	(tag) =	ssettag $0x1  }
0x1: {  	s1 =	srdreg.scid;
	s5 =	rddreg [dreg:$0x0]  }
0x2: {  	s0 =	stileid.u32;
	s4 =	rddreg [dreg:$0x1]  }
0x3: {  	s2 =	simm.s32 $0x0;
	s3 =	sand.u32 $0x1, s1;
	s31 =	sshll.u32 s0, $0x1  }
0x4: {  	s10 =	simm.s32 $0x7700;
	s1 =	rddreg [dreg:$0x2];
	s6 =	sor.u32 s3, s31  }
0x5: {  	s11 =	simm.s32 $0x0;
	[smem:$0x7FF] =	sst s2;
	s7 =	smul.u32 $0x4E00, s6  }
0x6: {  	p0 =	sgt.u32 s0, $0x1;
	s3 =	ssub.s32 $0x2, s3;
	s8 =	smul.u32 $0x5000, s6  }
.Ltmp0:
0x7: {  	_ =	strace $0x80000047;
	s9 =	sshrl.u32 s3, $0x1;
	(pc) =	sbr.rel .LBB2_1-.Ltmp0, $4  }
0x8: {  	s6 =	smul.u32 $0x9E0, s6;
	s7 =	sshrl.u32 s7, $0x3;
	s8 =	sshrl.u32 s8, $0x3  }
0x9: {  	s9 =	ssub.s32 s3, s9;
	s7 =	sadd.s32 s5, s7;
	s3 =	sadd.s32 s4, s8  }
0xa: {  	s5 =	sadd.s32 s5, s6;
	s8 =	simm.s32 $0x1;
	s4 =	sadd.s32 $0x80, s7  }
0xb: {  	v0 =	vimm.f32 $0.0e+00;
	v1 =	vimm.f32 $1.000000000e+00;
	s6 =	sadd.s32 $0x500, s3;
	s7 =	smax.u32 s9, $0x1;
	s9 =	simm.s32 $0x4F00  }
.LBB2_9:
0xc: {  	_ =	sdelay $0x3  }
0xd: {  	s12 =	sor.u32 s14, s15;
	[tilespmem:v2+s10+$0x0] =	vst.idx.add.f32.msk $0xffff, v1  }
0xe: {  	v2 =	vld [tilespmem:s12+$0x0];
	_ =	sdelay $0x7  }
0xf: {  	[tilespmem:v2+s9+$0x0] =	vst.idx.add.f32.msk $0xffff, v1  }
0x10: {  	v2 =	vld [tilespmem:s12+$0x80];
	_ =	sdelay $0x7  }
0x11: {  	[tilespmem:v2+s10+$0x0] =	vst.idx.add.f32.msk $0xffff, v1  }
.LBB2_10:
0x12: {  	[hbm4b:s3+s2] =	stream.linear.scatter [tilespmem:s9], [sflag:$0x1], $0x2800, $0x38;
	[tilespmem:$0x9F00] =	vst v63  }
0x13: {  	s11 =	sadd.s32 $0x1, s11;
	_ =	swait.ge [sflag:s8], $0x2800  }
0x14: {  	p1 =	sne.s32 s11, s7;
	[sflag:s8] =	ssyncset.done $0x0  }
.Ltmp1:
0x15: {  	[sflag:s8] =	ssyncadd.s32 $0xFFFFD800;
	(pc) =	sbr.rel @!p1 .LBB2_11-.Ltmp1, $4  }
0x16: {  	[hbm4b:s6+s2] =	stream.linear.scatter [tilespmem:s10], [sflag:$0x1], $0x2800, $0x38;
	[tilespmem:$0x9F00] =	vst v63  }
0x17: {  	_ =	swait.ge [sflag:s8], $0x2800  }
0x18: {  	[sflag:s8] =	ssyncset.done $0x0  }
0x19: {  	[sflag:s8] =	ssyncadd.s32 $0xFFFFD800  }
.LBB2_1:
0x1a: {  	s12 =	simm.s32 $0x40;
	s13 =	simm.s32 $0x0  }
.LBB2_2:
0x1b: {  	p1 =	sne.s32 s12, $0x9FC0;
	[tilespmem:s13+$0x4F00] =	vst v0;
	s14 =	smov.u32 s12;
	s12 =	sadd.s32 $0x40, s12  }
.Ltmp2:
0x1c: {  	[tilespmem:s13+$0x7700] =	vst v0;
	(pc) =	sbr.rel @p1 .LBB2_2-.Ltmp2, $2  }
0x1d: {  	_ =	sdelay $0x2  }
0x1e: {  	s13 =	sshra.s32 s14, $0x2  }
.Ltmp3:
0x1f: {  	(pc) =	sbr.rel @p0 .LBB2_7-.Ltmp3, $3  }
0x20: {  	_ =	sdelay $0x1  }
0x21: {  	[tilespmem:s13+$0x4F00] =	vst v0  }
0x22: {  	[tilespmem:s13+$0x7700] =	vst v0;
	s12 =	simm.s32 $0x0  }
0x23: {  	[tilespmem:s12], [sflag:$0x1] =	stream.linear.gather [hbm4b:s5+s12], $0x4F00, $0x38;
	[tilespmem:$0x9F00] =	vst v63  }
0x24: {  	_ =	swait.ge [sflag:s8], $0x4F00  }
0x25: {  	s13 =	sand.u32 $0x70, s12;
	s31 =	sand.u32 $0x7F00, s12;
	[sflag:s8] =	ssyncset.done $0x0  }
0x26: {  	s13 =	sor.u32 s13, s31;
	[sflag:s8] =	ssyncadd.s32 $0xFFFFB100  }
0x27: {  	v2 =	vld [tilespmem:s13+$0x0];
	_ =	sdelay $0x7  }
0x28: {  	[tilespmem:v2+s9+$0x0] =	vst.idx.add.f32.msk $0xffff, v1  }
0x29: {  	v2 =	vld [tilespmem:s13+$0x80];
	_ =	sdelay $0x5  }
0x2a: {  	s14 =	simm.s32 $0x10;
	s12 =	simm.s32 $0x20  }
0x2b: {  	s14 =	sand.u32 $0x70, s14;
	s15 =	sand.u32 $0x7F00, s12;
	s13 =	simm.s32 $0x20  }
.LBB2_5:
0x2c: {  	p1 =	seq.s32 s13, $0x2770;
	s14 =	sor.u32 s14, s15;
	[tilespmem:v2+s10+$0x0] =	vst.idx.add.f32.msk $0xffff, v1  }
0x2d: {  	v2 =	vld [tilespmem:s14+$0x0];
	_ =	sdelay $0x7  }
0x2e: {  	[tilespmem:v2+s9+$0x0] =	vst.idx.add.f32.msk $0xffff, v1  }
0x2f: {  	v2 =	vld [tilespmem:s14+$0x80];
	_ =	sdelay $0x2  }
.Ltmp4:
0x30: {  	(pc) =	sbr.rel @!p1 .LBB2_5-.Ltmp4, $3  }
0x31: {  	_ =	sdelay $0x1  }
0x32: {  	s12 =	sadd.s32 $0x20, s12  }
0x33: {  	s15 =	sand.u32 $0x7F00, s12;
	s14 =	sand.u32 $0x70, s13;
	s13 =	sadd.s32 $0x10, s13  }
0x34: {  	_ =	sdelay $0x3  }
0x35: {  	s12 =	sor.u32 s14, s15;
	[tilespmem:v2+s10+$0x0] =	vst.idx.add.f32.msk $0xffff, v1  }
0x36: {  	v2 =	vld [tilespmem:s12+$0x0];
	_ =	sdelay $0x7  }
0x37: {  	[tilespmem:v2+s9+$0x0] =	vst.idx.add.f32.msk $0xffff, v1  }
0x38: {  	v2 =	vld [tilespmem:s12+$0x80];
	_ =	sdelay $0x3  }
.Ltmp5:
0x39: {  	_ = 	snop;
	(pc) =	sbr.rel .LBB2_10-.Ltmp5, $2  }
0x3a: {  	_ =	sdelay $0x2  }
0x3b: {  	[tilespmem:v2+s10+$0x0] =	vst.idx.add.f32.msk $0xffff, v1  }
.LBB2_7:
0x3c: {  	[tilespmem:s12], [sflag:$0x1] =	stream.linear.gather [hbm4b:s4+s12], $0x4E00, $0x38;
	[tilespmem:$0x9F00] =	vst v63  }
0x3d: {  	_ =	swait.ge [sflag:s8], $0x4E00  }
0x3e: {  	s13 =	sand.u32 $0x70, s12;
	s31 =	sand.u32 $0x7F00, s12;
	[sflag:s8] =	ssyncset.done $0x0  }
0x3f: {  	s13 =	sor.u32 s13, s31;
	[sflag:s8] =	ssyncadd.s32 $0xFFFFB200  }
0x40: {  	v2 =	vld [tilespmem:s13+$0x0];
	_ =	sdelay $0x7  }
0x41: {  	[tilespmem:v2+s9+$0x0] =	vst.idx.add.f32.msk $0xffff, v1  }
0x42: {  	v2 =	vld [tilespmem:s13+$0x80];
	_ =	sdelay $0x5  }
0x43: {  	s14 =	simm.s32 $0x10;
	s12 =	simm.s32 $0x20  }
0x44: {  	s14 =	sand.u32 $0x70, s14;
	s15 =	sand.u32 $0x7F00, s12;
	s13 =	simm.s32 $0x20  }
.LBB2_8:
0x45: {  	p1 =	sne.s32 s13, $0x26F0;
	s14 =	sor.u32 s14, s15;
	[tilespmem:v2+s10+$0x0] =	vst.idx.add.f32.msk $0xffff, v1  }
0x46: {  	v2 =	vld [tilespmem:s14+$0x0];
	_ =	sdelay $0x7  }
0x47: {  	[tilespmem:v2+s9+$0x0] =	vst.idx.add.f32.msk $0xffff, v1  }
0x48: {  	v2 =	vld [tilespmem:s14+$0x80];
	_ =	sdelay $0x2  }
.Ltmp6:
0x49: {  	(pc) =	sbr.rel @p1 .LBB2_8-.Ltmp6, $3  }
0x4a: {  	_ =	sdelay $0x1  }
0x4b: {  	s12 =	sadd.s32 $0x20, s12  }
0x4c: {  	s15 =	sand.u32 $0x7F00, s12;
	s14 =	sand.u32 $0x70, s13;
	s13 =	sadd.s32 $0x10, s13  }
.Ltmp7:
0x4d: {  	_ = 	snop;
	(pc) =	sbr.rel .LBB2_9-.Ltmp7, $1  }
0x4e: {  	_ =	sdelay $0x3  }
.LBB2_11:
0x4f: {  	_ =	sfence.sel $0x180000  }
0x50: {  	[bflag:$0x0] =	sbarrier.arrive $0xFFFF  }
0x51: {  	p0 =	sne.s32 s0, $0x0;
	_ =	strace $0x90000047  }
0x52: {  	s0 =	sadd.s32 @!p0 $0x100000, s1;
	[bflag:$0x2] =	sbarrier.arrive $0xFFFF  }
0x53: {  	[sflag:s0] =	ssyncadd.tile.s32 @!p0 $0x1;
	_ =	shalt  }
.Lfunc_end2:
_tile_overlayer_lowered:
.L_overlay_start_2:
0x54: {  	(tag) =	ssettag $0x2  }
0x55: {  	s0 =	rddreg [dreg:$0x0];
	s2 =	stileid.u32  }
0x56: {  	s1 =	rddreg [dreg:$0x1];
	p0 =	sne.s32 s2, $0x0  }
0x57: {  	s3 =	rddreg [dreg:$0x2];
	[bflag:$0x3] =	sbarrier.arrive $0xFFFF;
	s2 =	simm.s32 @!p0 $0x1C01  }
0x58: {  	[timem:s3], [sflag:s2] =	dma.local @!p0 [hbm:s0], s1  }
0x59: {  	s0 =	simm.s32 @!p0 $0x1  }
0x5a: {  	_ =	swait.ge @!p0 [sflag:s0], s1  }
0x5b: {  	s1 =	ssub.s32 @!p0 $0x0, s1;
	[sflag:s0] =	ssyncset.done @!p0 $0x0  }
0x5c: {  	[sflag:s0] =	ssyncadd.s32 @!p0 s1  }
0x5d: {  	[bflag:$0x3] =	sbarrier.arrive $0xFFFF  }
0x5e: {  	_ =	shalt  }

</sc_bundles>
